<compile_context>
chip_gen: v7x
topology: tpu7x:2x2x1
jax: 0.10.2.dev20260603
libtpu: 0.0.44.dev20260713+nightly
codegen_flags: <defaults>
</compile_context>

<pallas_src>
import jax
import jax.numpy as jnp
from jax import lax
from jax.experimental import pallas as pl
from jax.experimental.pallas import tpu as pltpu
from jax.experimental.pallas import tpu_sc as plsc

N = 320000
D = 128
A = 16
G = 1024

NC = 2
NS = 16
NW = NC * NS
ROWS_PER_W = N // NW
CHUNK = 5000
NCHUNKS = ROWS_PER_W // CHUNK
ZROWS = G // NS

TILE = 6400


def _proj_body(h_ref, w1_ref, b1_ref, w2_ref, b2_ref, qnt_ref, qat_ref):
    x = h_ref[...]
    qnt_ref[...] = lax.dot_general(
        w1_ref[...], x, (((0,), (1,)), ((), ())),
        preferred_element_type=jnp.float32) + b1_ref[...]
    qat_ref[...] = jnp.dot(x, w2_ref[...],
                           preferred_element_type=jnp.float32) + b2_ref[...]


_proj = pl.pallas_call(
    _proj_body,
    grid=(N // TILE,),
    in_specs=[
        pl.BlockSpec((TILE, D), lambda i: (i, 0)),
        pl.BlockSpec((D, A), lambda i: (0, 0)),
        pl.BlockSpec((A, 1), lambda i: (0, 0)),
        pl.BlockSpec((D, A), lambda i: (0, 0)),
        pl.BlockSpec((1, A), lambda i: (0, 0)),
    ],
    out_specs=[
        pl.BlockSpec((A, TILE), lambda i: (0, i)),
        pl.BlockSpec((TILE, A), lambda i: (i, 0)),
    ],
    out_shape=[
        jax.ShapeDtypeStruct((A, N), jnp.float32),
        jax.ShapeDtypeStruct((N, A), jnp.float32),
    ],
    compiler_params=pltpu.CompilerParams(
        dimension_semantics=("arbitrary",),
    ),
)


def _segsum_body(rows_hbm, idx_hbm, out_hbm, rows_v, idx_v, zero_v, acc_sh):
    cid = lax.axis_index("c")
    sid = lax.axis_index("s")
    wid = sid * NC + cid
    for i in range(ZROWS):
        zero_v[i] = jnp.zeros((A,), jnp.float32)
    pltpu.sync_copy(zero_v, acc_sh.at[pl.ds(sid * ZROWS, ZROWS)])
    plsc.subcore_barrier()
    base = wid * ROWS_PER_W
    for k in range(NCHUNKS):
        pltpu.sync_copy(rows_hbm.at[pl.ds(base + k * CHUNK, CHUNK)], rows_v)
        pltpu.sync_copy(idx_hbm.at[pl.ds(base + k * CHUNK, CHUNK)], idx_v)
        pltpu.sync_copy(rows_v, acc_sh.at[idx_v], add=True)
    plsc.subcore_barrier()
    pltpu.sync_copy(acc_sh.at[pl.ds(sid * ZROWS, ZROWS)],
                    out_hbm.at[cid, pl.ds(sid * ZROWS, ZROWS)])


_segsum = pl.kernel(
    _segsum_body,
    out_type=jax.ShapeDtypeStruct((NC, G, A), jnp.float32),
    mesh=plsc.VectorSubcoreMesh(core_axis_name="c", subcore_axis_name="s"),
    scratch_types=[
        pltpu.VMEM((CHUNK, A), jnp.float32),
        pltpu.VMEM((CHUNK,), jnp.int32),
        pltpu.VMEM((ZROWS, A), jnp.float32),
        pltpu.VMEM_SHARED((G, A), jnp.float32),
    ],
    compiler_params=pltpu.CompilerParams(use_tc_tiling_on_sc=False),
)


def _combine_body(p_ref, o_ref):
    o_ref[...] = p_ref[0] + p_ref[1]


_combine = pl.pallas_call(
    _combine_body,
    out_shape=jax.ShapeDtypeStruct((G, A), jnp.float32),
)


def kernel(h_values, q_node_action_w, q_node_action_b, q_action_node_w,
           q_action_node_b, h_indices):
    qn_t, qa_n = _proj(h_values,
                       q_node_action_w, q_node_action_b[:, None],
                       q_action_node_w, q_action_node_b[None, :])
    partials = _segsum(qa_n, h_indices)
    q_a = _combine(partials)
    return (q_a, qn_t.T)

# --- scband reference (transcript-rebuilt; emitter-appended) ---
"""Pipeline reference for scband-qaction-then-node-49306224558821 (READ-ONLY COPY).

The authoritative reference and input builder live on the scoring server;
editing this copy changes nothing except your own understanding.
"""

import jax, jax.numpy as jnp
import numpy as np

N = 320000
D = 128
A = 16
G = 1024

def setup_inputs(seed: int = 0) -> dict:
    key = jax.random.key(seed)
    k1, k2, k3, k4, k5, k6 = jax.random.split(key, 6)
    h_values = jax.random.normal(k1, (N, D), dtype=jnp.float32)
    h_indices = jnp.sort(jax.random.randint(k2, (N,), 0, G, dtype=jnp.int32))
    # ensure num_graphs (max+1) equals G deterministically
    h_indices = h_indices.at[-1].set(G - 1)
    bound = 1.0 / np.sqrt(D)
    q_node_action_w = jax.random.uniform(k3, (D, A), minval=-bound, maxval=bound, dtype=jnp.float32)
    q_node_action_b = jax.random.uniform(k4, (A,), minval=-bound, maxval=bound, dtype=jnp.float32)
    q_action_node_w = jax.random.uniform(k5, (D, A), minval=-bound, maxval=bound, dtype=jnp.float32)
    q_action_node_b = jax.random.uniform(k6, (A,), minval=-bound, maxval=bound, dtype=jnp.float32)
    return {
        'h_values': h_values,
        'q_node_action_w': q_node_action_w,
        'q_node_action_b': q_node_action_b,
        'q_action_node_w': q_action_node_w,
        'q_action_node_b': q_action_node_b,
        'h_indices': h_indices,
    }

def reference(h_values, q_node_action_w, q_node_action_b, q_action_node_w, q_action_node_b, h_indices):
    # num_graphs(h.indices) == max index + 1; setup_inputs pins max index to G - 1
    n_g = G
    q_n__a = h_values @ q_node_action_w + q_node_action_b  # per-node Q (stays node-aligned)
    q_a__n = h_values @ q_action_node_w + q_action_node_b  # per-node contribution to graph Q
    q_a = jax.ops.segment_sum(q_a__n, h_indices, num_segments=n_g)
    # original returns (q_a, SparseTensor(q_n__a, h.indices)); we return the arrays
    return (q_a, q_n__a)

if __name__ == "__main__":
    import jax
    _d = setup_inputs()
    print(jax.jit(kernel)(*tuple(_d.values())))

</pallas_src>

<mosaic_0001>
#map = affine_map<(d0, d1) -> (0, 0)>
#map1 = affine_map<(d0, d1) -> (0)>
#map2 = affine_map<(d0, d1) -> (0, 0, 0)>
module attributes {stable_mosaic.version = 14 : i64} {
  func.func @_segsum_body(%arg0: i32, %arg1: i32, %arg2: memref<320000x16xf32, #tpu.memory_space<hbm>>, %arg3: memref<320000xi32, #tpu.memory_space<hbm>>, %arg4: memref<2x1024x16xf32, #tpu.memory_space<hbm>>, %arg5: memref<5000x16xf32, #tpu.memory_space<vmem>>, %arg6: memref<5000xi32, #tpu.memory_space<vmem>>, %arg7: memref<64x16xf32, #tpu.memory_space<vmem>>, %arg8: memref<1024x16xf32, #tpu.memory_space<vmem_shared>>) attributes {dimension_semantics = [#tpu.dimension_semantics<core_parallel>, #tpu.dimension_semantics<subcore_parallel>], iteration_bounds = array<i64: 2, 16>, scalar_prefetch = 0 : i64, scratch_operands = 4 : i64, tpu.core_type = #tpu.core_type<sc_vector_subcore>, window_params = [{transform_indices = #map}, {transform_indices = #map1}, {transform_indices = #map2}]} {
    %mul3A = arith.constant 2 : i32
    %mul3A_0 = arith.muli %arg1, %mul3A : i32
    %add3A = arith.addi %mul3A_0, %arg0 : i32
    %broadcast_in_dim3A = arith.constant 0.000000e+00 : f32
    %broadcast_in_dim3A_1 = vector.broadcast %broadcast_in_dim3A : f32 to vector<16xf32>
    %swap3A = arith.constant 0 : i32
    %swap3A_2 = arith.index_cast %swap3A : i32 to index
    %swap3A_3 = arith.constant 0 : index
    %swap3A_4 = tpu.vector_load %arg7[%swap3A_2, %swap3A_3] {strides = array<i32>} : memref<64x16xf32, #tpu.memory_space<vmem>>, vector<1x16xf32>,
    %swap3A_5 = vector.shape_cast %swap3A_4 : vector<1x16xf32> to vector<16xf32>
    %swap3A_6 = vector.shape_cast %broadcast_in_dim3A_1 : vector<16xf32> to vector<1x16xf32>
    tpu.vector_store %arg7[%swap3A_2, %swap3A_3], %swap3A_6 {strides = array<i32>} : memref<64x16xf32, #tpu.memory_space<vmem>>, vector<1x16xf32>,
    %broadcast_in_dim3A_7 = arith.constant 0.000000e+00 : f32
    %broadcast_in_dim3A_8 = vector.broadcast %broadcast_in_dim3A_7 : f32 to vector<16xf32>
    %swap3A_9 = arith.constant 1 : i32
    %swap3A_10 = arith.index_cast %swap3A_9 : i32 to index
    %swap3A_11 = arith.constant 0 : index
    %swap3A_12 = tpu.vector_load %arg7[%swap3A_10, %swap3A_11] {strides = array<i32>} : memref<64x16xf32, #tpu.memory_space<vmem>>, vector<1x16xf32>,
    %swap3A_13 = vector.shape_cast %swap3A_12 : vector<1x16xf32> to vector<16xf32>
    %swap3A_14 = vector.shape_cast %broadcast_in_dim3A_8 : vector<16xf32> to vector<1x16xf32>
    tpu.vector_store %arg7[%swap3A_10, %swap3A_11], %swap3A_14 {strides = array<i32>} : memref<64x16xf32, #tpu.memory_space<vmem>>, vector<1x16xf32>,
    %broadcast_in_dim3A_15 = arith.constant 0.000000e+00 : f32
    %broadcast_in_dim3A_16 = vector.broadcast %broadcast_in_dim3A_15 : f32 to vector<16xf32>
    %swap3A_17 = arith.constant 2 : i32
    %swap3A_18 = arith.index_cast %swap3A_17 : i32 to index
    %swap3A_19 = arith.constant 0 : index
    %swap3A_20 = tpu.vector_load %arg7[%swap3A_18, %swap3A_19] {strides = array<i32>} : memref<64x16xf32, #tpu.memory_space<vmem>>, vector<1x16xf32>,
    %swap3A_21 = vector.shape_cast %swap3A_20 : vector<1x16xf32> to vector<16xf32>
    %swap3A_22 = vector.shape_cast %broadcast_in_dim3A_16 : vector<16xf32> to vector<1x16xf32>
    tpu.vector_store %arg7[%swap3A_18, %swap3A_19], %swap3A_22 {strides = array<i32>} : memref<64x16xf32, #tpu.memory_space<vmem>>, vector<1x16xf32>,
    %broadcast_in_dim3A_23 = arith.constant 0.000000e+00 : f32
    %broadcast_in_dim3A_24 = vector.broadcast %broadcast_in_dim3A_23 : f32 to vector<16xf32>
    %swap3A_25 = arith.constant 3 : i32
    %swap3A_26 = arith.index_cast %swap3A_25 : i32 to index
    %swap3A_27 = arith.constant 0 : index
    %swap3A_28 = tpu.vector_load %arg7[%swap3A_26, %swap3A_27] {strides = array<i32>} : memref<64x16xf32, #tpu.memory_space<vmem>>, vector<1x16xf32>,
    %swap3A_29 = vector.shape_cast %swap3A_28 : vector<1x16xf32> to vector<16xf32>
    %swap3A_30 = vector.shape_cast %broadcast_in_dim3A_24 : vector<16xf32> to vector<1x16xf32>
    tpu.vector_store %arg7[%swap3A_26, %swap3A_27], %swap3A_30 {strides = array<i32>} : memref<64x16xf32, #tpu.memory_space<vmem>>, vector<1x16xf32>,
    %broadcast_in_dim3A_31 = arith.constant 0.000000e+00 : f32
    %broadcast_in_dim3A_32 = vector.broadcast %broadcast_in_dim3A_31 : f32 to vector<16xf32>
    %swap3A_33 = arith.constant 4 : i32
    %swap3A_34 = arith.index_cast %swap3A_33 : i32 to index
    %swap3A_35 = arith.constant 0 : index
    %swap3A_36 = tpu.vector_load %arg7[%swap3A_34, %swap3A_35] {strides = array<i32>} : memref<64x16xf32, #tpu.memory_space<vmem>>, vector<1x16xf32>,
    %swap3A_37 = vector.shape_cast %swap3A_36 : vector<1x16xf32> to vector<16xf32>
    %swap3A_38 = vector.shape_cast %broadcast_in_dim3A_32 : vector<16xf32> to vector<1x16xf32>
    tpu.vector_store %arg7[%swap3A_34, %swap3A_35], %swap3A_38 {strides = array<i32>} : memref<64x16xf32, #tpu.memory_space<vmem>>, vector<1x16xf32>,
    %broadcast_in_dim3A_39 = arith.constant 0.000000e+00 : f32
    %broadcast_in_dim3A_40 = vector.broadcast %broadcast_in_dim3A_39 : f32 to vector<16xf32>
    %swap3A_41 = arith.constant 5 : i32
    %swap3A_42 = arith.index_cast %swap3A_41 : i32 to index
    %swap3A_43 = arith.constant 0 : index
    %swap3A_44 = tpu.vector_load %arg7[%swap3A_42, %swap3A_43] {strides = array<i32>} : memref<64x16xf32, #tpu.memory_space<vmem>>, vector<1x16xf32>,
    %swap3A_45 = vector.shape_cast %swap3A_44 : vector<1x16xf32> to vector<16xf32>
    %swap3A_46 = vector.shape_cast %broadcast_in_dim3A_40 : vector<16xf32> to vector<1x16xf32>
    tpu.vector_store %arg7[%swap3A_42, %swap3A_43], %swap3A_46 {strides = array<i32>} : memref<64x16xf32, #tpu.memory_space<vmem>>, vector<1x16xf32>,
    %broadcast_in_dim3A_47 = arith.constant 0.000000e+00 : f32
    %broadcast_in_dim3A_48 = vector.broadcast %broadcast_in_dim3A_47 : f32 to vector<16xf32>
    %swap3A_49 = arith.constant 6 : i32
    %swap3A_50 = arith.index_cast %swap3A_49 : i32 to index
    %swap3A_51 = arith.constant 0 : index
    %swap3A_52 = tpu.vector_load %arg7[%swap3A_50, %swap3A_51] {strides = array<i32>} : memref<64x16xf32, #tpu.memory_space<vmem>>, vector<1x16xf32>,
    %swap3A_53 = vector.shape_cast %swap3A_52 : vector<1x16xf32> to vector<16xf32>
    %swap3A_54 = vector.shape_cast %broadcast_in_dim3A_48 : vector<16xf32> to vector<1x16xf32>
    tpu.vector_store %arg7[%swap3A_50, %swap3A_51], %swap3A_54 {strides = array<i32>} : memref<64x16xf32, #tpu.memory_space<vmem>>, vector<1x16xf32>,
    %broadcast_in_dim3A_55 = arith.constant 0.000000e+00 : f32
    %broadcast_in_dim3A_56 = vector.broadcast %broadcast_in_dim3A_55 : f32 to vector<16xf32>
    %swap3A_57 = arith.constant 7 : i32
    %swap3A_58 = arith.index_cast %swap3A_57 : i32 to index
    %swap3A_59 = arith.constant 0 : index
    %swap3A_60 = tpu.vector_load %arg7[%swap3A_58, %swap3A_59] {strides = array<i32>} : memref<64x16xf32, #tpu.memory_space<vmem>>, vector<1x16xf32>,
    %swap3A_61 = vector.shape_cast %swap3A_60 : vector<1x16xf32> to vector<16xf32>
    %swap3A_62 = vector.shape_cast %broadcast_in_dim3A_56 : vector<16xf32> to vector<1x16xf32>
    tpu.vector_store %arg7[%swap3A_58, %swap3A_59], %swap3A_62 {strides = array<i32>} : memref<64x16xf32, #tpu.memory_space<vmem>>, vector<1x16xf32>,
    %broadcast_in_dim3A_63 = arith.constant 0.000000e+00 : f32
    %broadcast_in_dim3A_64 = vector.broadcast %broadcast_in_dim3A_63 : f32 to vector<16xf32>
    %swap3A_65 = arith.constant 8 : i32
    %swap3A_66 = arith.index_cast %swap3A_65 : i32 to index
    %swap3A_67 = arith.constant 0 : index
    %swap3A_68 = tpu.vector_load %arg7[%swap3A_66, %swap3A_67] {strides = array<i32>} : memref<64x16xf32, #tpu.memory_space<vmem>>, vector<1x16xf32>,
    %swap3A_69 = vector.shape_cast %swap3A_68 : vector<1x16xf32> to vector<16xf32>
    %swap3A_70 = vector.shape_cast %broadcast_in_dim3A_64 : vector<16xf32> to vector<1x16xf32>
    tpu.vector_store %arg7[%swap3A_66, %swap3A_67], %swap3A_70 {strides = array<i32>} : memref<64x16xf32, #tpu.memory_space<vmem>>, vector<1x16xf32>,
    %broadcast_in_dim3A_71 = arith.constant 0.000000e+00 : f32
    %broadcast_in_dim3A_72 = vector.broadcast %broadcast_in_dim3A_71 : f32 to vector<16xf32>
    %swap3A_73 = arith.constant 9 : i32
    %swap3A_74 = arith.index_cast %swap3A_73 : i32 to index
    %swap3A_75 = arith.constant 0 : index
    %swap3A_76 = tpu.vector_load %arg7[%swap3A_74, %swap3A_75] {strides = array<i32>} : memref<64x16xf32, #tpu.memory_space<vmem>>, vector<1x16xf32>,
    %swap3A_77 = vector.shape_cast %swap3A_76 : vector<1x16xf32> to vector<16xf32>
    %swap3A_78 = vector.shape_cast %broadcast_in_dim3A_72 : vector<16xf32> to vector<1x16xf32>
    tpu.vector_store %arg7[%swap3A_74, %swap3A_75], %swap3A_78 {strides = array<i32>} : memref<64x16xf32, #tpu.memory_space<vmem>>, vector<1x16xf32>,
    %broadcast_in_dim3A_79 = arith.constant 0.000000e+00 : f32
    %broadcast_in_dim3A_80 = vector.broadcast %broadcast_in_dim3A_79 : f32 to vector<16xf32>
    %swap3A_81 = arith.constant 10 : i32
    %swap3A_82 = arith.index_cast %swap3A_81 : i32 to index
    %swap3A_83 = arith.constant 0 : index
    %swap3A_84 = tpu.vector_load %arg7[%swap3A_82, %swap3A_83] {strides = array<i32>} : memref<64x16xf32, #tpu.memory_space<vmem>>, vector<1x16xf32>,
    %swap3A_85 = vector.shape_cast %swap3A_84 : vector<1x16xf32> to vector<16xf32>
    %swap3A_86 = vector.shape_cast %broadcast_in_dim3A_80 : vector<16xf32> to vector<1x16xf32>
    tpu.vector_store %arg7[%swap3A_82, %swap3A_83], %swap3A_86 {strides = array<i32>} : memref<64x16xf32, #tpu.memory_space<vmem>>, vector<1x16xf32>,
    %broadcast_in_dim3A_87 = arith.constant 0.000000e+00 : f32
    %broadcast_in_dim3A_88 = vector.broadcast %broadcast_in_dim3A_87 : f32 to vector<16xf32>
    %swap3A_89 = arith.constant 11 : i32
    %swap3A_90 = arith.index_cast %swap3A_89 : i32 to index
    %swap3A_91 = arith.constant 0 : index
    %swap3A_92 = tpu.vector_load %arg7[%swap3A_90, %swap3A_91] {strides = array<i32>} : memref<64x16xf32, #tpu.memory_space<vmem>>, vector<1x16xf32>,
    %swap3A_93 = vector.shape_cast %swap3A_92 : vector<1x16xf32> to vector<16xf32>
    %swap3A_94 = vector.shape_cast %broadcast_in_dim3A_88 : vector<16xf32> to vector<1x16xf32>
    tpu.vector_store %arg7[%swap3A_90, %swap3A_91], %swap3A_94 {strides = array<i32>} : memref<64x16xf32, #tpu.memory_space<vmem>>, vector<1x16xf32>,
    %broadcast_in_dim3A_95 = arith.constant 0.000000e+00 : f32
    %broadcast_in_dim3A_96 = vector.broadcast %broadcast_in_dim3A_95 : f32 to vector<16xf32>
    %swap3A_97 = arith.constant 12 : i32
    %swap3A_98 = arith.index_cast %swap3A_97 : i32 to index
    %swap3A_99 = arith.constant 0 : index
    %swap3A_100 = tpu.vector_load %arg7[%swap3A_98, %swap3A_99] {strides = array<i32>} : memref<64x16xf32, #tpu.memory_space<vmem>>, vector<1x16xf32>,
    %swap3A_101 = vector.shape_cast %swap3A_100 : vector<1x16xf32> to vector<16xf32>
    %swap3A_102 = vector.shape_cast %broadcast_in_dim3A_96 : vector<16xf32> to vector<1x16xf32>
    tpu.vector_store %arg7[%swap3A_98, %swap3A_99], %swap3A_102 {strides = array<i32>} : memref<64x16xf32, #tpu.memory_space<vmem>>, vector<1x16xf32>,
    %broadcast_in_dim3A_103 = arith.constant 0.000000e+00 : f32
    %broadcast_in_dim3A_104 = vector.broadcast %broadcast_in_dim3A_103 : f32 to vector<16xf32>
    %swap3A_105 = arith.constant 13 : i32
    %swap3A_106 = arith.index_cast %swap3A_105 : i32 to index
    %swap3A_107 = arith.constant 0 : index
    %swap3A_108 = tpu.vector_load %arg7[%swap3A_106, %swap3A_107] {strides = array<i32>} : memref<64x16xf32, #tpu.memory_space<vmem>>, vector<1x16xf32>,
    %swap3A_109 = vector.shape_cast %swap3A_108 : vector<1x16xf32> to vector<16xf32>
    %swap3A_110 = vector.shape_cast %broadcast_in_dim3A_104 : vector<16xf32> to vector<1x16xf32>
    tpu.vector_store %arg7[%swap3A_106, %swap3A_107], %swap3A_110 {strides = array<i32>} : memref<64x16xf32, #tpu.memory_space<vmem>>, vector<1x16xf32>,
    %broadcast_in_dim3A_111 = arith.constant 0.000000e+00 : f32
    %broadcast_in_dim3A_112 = vector.broadcast %broadcast_in_dim3A_111 : f32 to vector<16xf32>
    %swap3A_113 = arith.constant 14 : i32
    %swap3A_114 = arith.index_cast %swap3A_113 : i32 to index
    %swap3A_115 = arith.constant 0 : index
    %swap3A_116 = tpu.vector_load %arg7[%swap3A_114, %swap3A_115] {strides = array<i32>} : memref<64x16xf32, #tpu.memory_space<vmem>>, vector<1x16xf32>,
    %swap3A_117 = vector.shape_cast %swap3A_116 : vector<1x16xf32> to vector<16xf32>
    %swap3A_118 = vector.shape_cast %broadcast_in_dim3A_112 : vector<16xf32> to vector<1x16xf32>
    tpu.vector_store %arg7[%swap3A_114, %swap3A_115], %swap3A_118 {strides = array<i32>} : memref<64x16xf32, #tpu.memory_space<vmem>>, vector<1x16xf32>,
    %broadcast_in_dim3A_119 = arith.constant 0.000000e+00 : f32
    %broadcast_in_dim3A_120 = vector.broadcast %broadcast_in_dim3A_119 : f32 to vector<16xf32>
    %swap3A_121 = arith.constant 15 : i32
    %swap3A_122 = arith.index_cast %swap3A_121 : i32 to index
    %swap3A_123 = arith.constant 0 : index
    %swap3A_124 = tpu.vector_load %arg7[%swap3A_122, %swap3A_123] {strides = array<i32>} : memref<64x16xf32, #tpu.memory_space<vmem>>, vector<1x16xf32>,
    %swap3A_125 = vector.shape_cast %swap3A_124 : vector<1x16xf32> to vector<16xf32>
    %swap3A_126 = vector.shape_cast %broadcast_in_dim3A_120 : vector<16xf32> to vector<1x16xf32>
    tpu.vector_store %arg7[%swap3A_122, %swap3A_123], %swap3A_126 {strides = array<i32>} : memref<64x16xf32, #tpu.memory_space<vmem>>, vector<1x16xf32>,
    %broadcast_in_dim3A_127 = arith.constant 0.000000e+00 : f32
    %broadcast_in_dim3A_128 = vector.broadcast %broadcast_in_dim3A_127 : f32 to vector<16xf32>
    %swap3A_129 = arith.constant 16 : i32
    %swap3A_130 = arith.index_cast %swap3A_129 : i32 to index
    %swap3A_131 = arith.constant 0 : index
    %swap3A_132 = tpu.vector_load %arg7[%swap3A_130, %swap3A_131] {strides = array<i32>} : memref<64x16xf32, #tpu.memory_space<vmem>>, vector<1x16xf32>,
    %swap3A_133 = vector.shape_cast %swap3A_132 : vector<1x16xf32> to vector<16xf32>
    %swap3A_134 = vector.shape_cast %broadcast_in_dim3A_128 : vector<16xf32> to vector<1x16xf32>
    tpu.vector_store %arg7[%swap3A_130, %swap3A_131], %swap3A_134 {strides = array<i32>} : memref<64x16xf32, #tpu.memory_space<vmem>>, vector<1x16xf32>,
    %broadcast_in_dim3A_135 = arith.constant 0.000000e+00 : f32
    %broadcast_in_dim3A_136 = vector.broadcast %broadcast_in_dim3A_135 : f32 to vector<16xf32>
    %swap3A_137 = arith.constant 17 : i32
    %swap3A_138 = arith.index_cast %swap3A_137 : i32 to index
    %swap3A_139 = arith.constant 0 : index
    %swap3A_140 = tpu.vector_load %arg7[%swap3A_138, %swap3A_139] {strides = array<i32>} : memref<64x16xf32, #tpu.memory_space<vmem>>, vector<1x16xf32>,
    %swap3A_141 = vector.shape_cast %swap3A_140 : vector<1x16xf32> to vector<16xf32>
    %swap3A_142 = vector.shape_cast %broadcast_in_dim3A_136 : vector<16xf32> to vector<1x16xf32>
    tpu.vector_store %arg7[%swap3A_138, %swap3A_139], %swap3A_142 {strides = array<i32>} : memref<64x16xf32, #tpu.memory_space<vmem>>, vector<1x16xf32>,
    %broadcast_in_dim3A_143 = arith.constant 0.000000e+00 : f32
    %broadcast_in_dim3A_144 = vector.broadcast %broadcast_in_dim3A_143 : f32 to vector<16xf32>
    %swap3A_145 = arith.constant 18 : i32
    %swap3A_146 = arith.index_cast %swap3A_145 : i32 to index
    %swap3A_147 = arith.constant 0 : index
    %swap3A_148 = tpu.vector_load %arg7[%swap3A_146, %swap3A_147] {strides = array<i32>} : memref<64x16xf32, #tpu.memory_space<vmem>>, vector<1x16xf32>,
    %swap3A_149 = vector.shape_cast %swap3A_148 : vector<1x16xf32> to vector<16xf32>
    %swap3A_150 = vector.shape_cast %broadcast_in_dim3A_144 : vector<16xf32> to vector<1x16xf32>
    tpu.vector_store %arg7[%swap3A_146, %swap3A_147], %swap3A_150 {strides = array<i32>} : memref<64x16xf32, #tpu.memory_space<vmem>>, vector<1x16xf32>,
    %broadcast_in_dim3A_151 = arith.constant 0.000000e+00 : f32
    %broadcast_in_dim3A_152 = vector.broadcast %broadcast_in_dim3A_151 : f32 to vector<16xf32>
    %swap3A_153 = arith.constant 19 : i32
    %swap3A_154 = arith.index_cast %swap3A_153 : i32 to index
    %swap3A_155 = arith.constant 0 : index
    %swap3A_156 = tpu.vector_load %arg7[%swap3A_154, %swap3A_155] {strides = array<i32>} : memref<64x16xf32, #tpu.memory_space<vmem>>, vector<1x16xf32>,
    %swap3A_157 = vector.shape_cast %swap3A_156 : vector<1x16xf32> to vector<16xf32>
    %swap3A_158 = vector.shape_cast %broadcast_in_dim3A_152 : vector<16xf32> to vector<1x16xf32>
    tpu.vector_store %arg7[%swap3A_154, %swap3A_155], %swap3A_158 {strides = array<i32>} : memref<64x16xf32, #tpu.memory_space<vmem>>, vector<1x16xf32>,
    %broadcast_in_dim3A_159 = arith.constant 0.000000e+00 : f32
    %broadcast_in_dim3A_160 = vector.broadcast %broadcast_in_dim3A_159 : f32 to vector<16xf32>
    %swap3A_161 = arith.constant 20 : i32
    %swap3A_162 = arith.index_cast %swap3A_161 : i32 to index
    %swap3A_163 = arith.constant 0 : index
    %swap3A_164 = tpu.vector_load %arg7[%swap3A_162, %swap3A_163] {strides = array<i32>} : memref<64x16xf32, #tpu.memory_space<vmem>>, vector<1x16xf32>,
    %swap3A_165 = vector.shape_cast %swap3A_164 : vector<1x16xf32> to vector<16xf32>
    %swap3A_166 = vector.shape_cast %broadcast_in_dim3A_160 : vector<16xf32> to vector<1x16xf32>
    tpu.vector_store %arg7[%swap3A_162, %swap3A_163], %swap3A_166 {strides = array<i32>} : memref<64x16xf32, #tpu.memory_space<vmem>>, vector<1x16xf32>,
    %broadcast_in_dim3A_167 = arith.constant 0.000000e+00 : f32
    %broadcast_in_dim3A_168 = vector.broadcast %broadcast_in_dim3A_167 : f32 to vector<16xf32>
    %swap3A_169 = arith.constant 21 : i32
    %swap3A_170 = arith.index_cast %swap3A_169 : i32 to index
    %swap3A_171 = arith.constant 0 : index
    %swap3A_172 = tpu.vector_load %arg7[%swap3A_170, %swap3A_171] {strides = array<i32>} : memref<64x16xf32, #tpu.memory_space<vmem>>, vector<1x16xf32>,
    %swap3A_173 = vector.shape_cast %swap3A_172 : vector<1x16xf32> to vector<16xf32>
    %swap3A_174 = vector.shape_cast %broadcast_in_dim3A_168 : vector<16xf32> to vector<1x16xf32>
    tpu.vector_store %arg7[%swap3A_170, %swap3A_171], %swap3A_174 {strides = array<i32>} : memref<64x16xf32, #tpu.memory_space<vmem>>, vector<1x16xf32>,
    %broadcast_in_dim3A_175 = arith.constant 0.000000e+00 : f32
    %broadcast_in_dim3A_176 = vector.broadcast %broadcast_in_dim3A_175 : f32 to vector<16xf32>
    %swap3A_177 = arith.constant 22 : i32
    %swap3A_178 = arith.index_cast %swap3A_177 : i32 to index
    %swap3A_179 = arith.constant 0 : index
    %swap3A_180 = tpu.vector_load %arg7[%swap3A_178, %swap3A_179] {strides = array<i32>} : memref<64x16xf32, #tpu.memory_space<vmem>>, vector<1x16xf32>,
    %swap3A_181 = vector.shape_cast %swap3A_180 : vector<1x16xf32> to vector<16xf32>
    %swap3A_182 = vector.shape_cast %broadcast_in_dim3A_176 : vector<16xf32> to vector<1x16xf32>
    tpu.vector_store %arg7[%swap3A_178, %swap3A_179], %swap3A_182 {strides = array<i32>} : memref<64x16xf32, #tpu.memory_space<vmem>>, vector<1x16xf32>,
    %broadcast_in_dim3A_183 = arith.constant 0.000000e+00 : f32
    %broadcast_in_dim3A_184 = vector.broadcast %broadcast_in_dim3A_183 : f32 to vector<16xf32>
    %swap3A_185 = arith.constant 23 : i32
    %swap3A_186 = arith.index_cast %swap3A_185 : i32 to index
    %swap3A_187 = arith.constant 0 : index
    %swap3A_188 = tpu.vector_load %arg7[%swap3A_186, %swap3A_187] {strides = array<i32>} : memref<64x16xf32, #tpu.memory_space<vmem>>, vector<1x16xf32>,
    %swap3A_189 = vector.shape_cast %swap3A_188 : vector<1x16xf32> to vector<16xf32>
    %swap3A_190 = vector.shape_cast %broadcast_in_dim3A_184 : vector<16xf32> to vector<1x16xf32>
    tpu.vector_store %arg7[%swap3A_186, %swap3A_187], %swap3A_190 {strides = array<i32>} : memref<64x16xf32, #tpu.memory_space<vmem>>, vector<1x16xf32>,
    %broadcast_in_dim3A_191 = arith.constant 0.000000e+00 : f32
    %broadcast_in_dim3A_192 = vector.broadcast %broadcast_in_dim3A_191 : f32 to vector<16xf32>
    %swap3A_193 = arith.constant 24 : i32
    %swap3A_194 = arith.index_cast %swap3A_193 : i32 to index
    %swap3A_195 = arith.constant 0 : index
    %swap3A_196 = tpu.vector_load %arg7[%swap3A_194, %swap3A_195] {strides = array<i32>} : memref<64x16xf32, #tpu.memory_space<vmem>>, vector<1x16xf32>,
    %swap3A_197 = vector.shape_cast %swap3A_196 : vector<1x16xf32> to vector<16xf32>
    %swap3A_198 = vector.shape_cast %broadcast_in_dim3A_192 : vector<16xf32> to vector<1x16xf32>
    tpu.vector_store %arg7[%swap3A_194, %swap3A_195], %swap3A_198 {strides = array<i32>} : memref<64x16xf32, #tpu.memory_space<vmem>>, vector<1x16xf32>,
    %broadcast_in_dim3A_199 = arith.constant 0.000000e+00 : f32
    %broadcast_in_dim3A_200 = vector.broadcast %broadcast_in_dim3A_199 : f32 to vector<16xf32>
    %swap3A_201 = arith.constant 25 : i32
    %swap3A_202 = arith.index_cast %swap3A_201 : i32 to index
    %swap3A_203 = arith.constant 0 : index
    %swap3A_204 = tpu.vector_load %arg7[%swap3A_202, %swap3A_203] {strides = array<i32>} : memref<64x16xf32, #tpu.memory_space<vmem>>, vector<1x16xf32>,
    %swap3A_205 = vector.shape_cast %swap3A_204 : vector<1x16xf32> to vector<16xf32>
    %swap3A_206 = vector.shape_cast %broadcast_in_dim3A_200 : vector<16xf32> to vector<1x16xf32>
    tpu.vector_store %arg7[%swap3A_202, %swap3A_203], %swap3A_206 {strides = array<i32>} : memref<64x16xf32, #tpu.memory_space<vmem>>, vector<1x16xf32>,
    %broadcast_in_dim3A_207 = arith.constant 0.000000e+00 : f32
    %broadcast_in_dim3A_208 = vector.broadcast %broadcast_in_dim3A_207 : f32 to vector<16xf32>
    %swap3A_209 = arith.constant 26 : i32
    %swap3A_210 = arith.index_cast %swap3A_209 : i32 to index
    %swap3A_211 = arith.constant 0 : index
    %swap3A_212 = tpu.vector_load %arg7[%swap3A_210, %swap3A_211] {strides = array<i32>} : memref<64x16xf32, #tpu.memory_space<vmem>>, vector<1x16xf32>,
    %swap3A_213 = vector.shape_cast %swap3A_212 : vector<1x16xf32> to vector<16xf32>
    %swap3A_214 = vector.shape_cast %broadcast_in_dim3A_208 : vector<16xf32> to vector<1x16xf32>
    tpu.vector_store %arg7[%swap3A_210, %swap3A_211], %swap3A_214 {strides = array<i32>} : memref<64x16xf32, #tpu.memory_space<vmem>>, vector<1x16xf32>,
    %broadcast_in_dim3A_215 = arith.constant 0.000000e+00 : f32
    %broadcast_in_dim3A_216 = vector.broadcast %broadcast_in_dim3A_215 : f32 to vector<16xf32>
    %swap3A_217 = arith.constant 27 : i32
    %swap3A_218 = arith.index_cast %swap3A_217 : i32 to index
    %swap3A_219 = arith.constant 0 : index
    %swap3A_220 = tpu.vector_load %arg7[%swap3A_218, %swap3A_219] {strides = array<i32>} : memref<64x16xf32, #tpu.memory_space<vmem>>, vector<1x16xf32>,
    %swap3A_221 = vector.shape_cast %swap3A_220 : vector<1x16xf32> to vector<16xf32>
    %swap3A_222 = vector.shape_cast %broadcast_in_dim3A_216 : vector<16xf32> to vector<1x16xf32>
    tpu.vector_store %arg7[%swap3A_218, %swap3A_219], %swap3A_222 {strides = array<i32>} : memref<64x16xf32, #tpu.memory_space<vmem>>, vector<1x16xf32>,
    %broadcast_in_dim3A_223 = arith.constant 0.000000e+00 : f32
    %broadcast_in_dim3A_224 = vector.broadcast %broadcast_in_dim3A_223 : f32 to vector<16xf32>
    %swap3A_225 = arith.constant 28 : i32
    %swap3A_226 = arith.index_cast %swap3A_225 : i32 to index
    %swap3A_227 = arith.constant 0 : index
    %swap3A_228 = tpu.vector_load %arg7[%swap3A_226, %swap3A_227] {strides = array<i32>} : memref<64x16xf32, #tpu.memory_space<vmem>>, vector<1x16xf32>,
    %swap3A_229 = vector.shape_cast %swap3A_228 : vector<1x16xf32> to vector<16xf32>
    %swap3A_230 = vector.shape_cast %broadcast_in_dim3A_224 : vector<16xf32> to vector<1x16xf32>
    tpu.vector_store %arg7[%swap3A_226, %swap3A_227], %swap3A_230 {strides = array<i32>} : memref<64x16xf32, #tpu.memory_space<vmem>>, vector<1x16xf32>,
    %broadcast_in_dim3A_231 = arith.constant 0.000000e+00 : f32
    %broadcast_in_dim3A_232 = vector.broadcast %broadcast_in_dim3A_231 : f32 to vector<16xf32>
    %swap3A_233 = arith.constant 29 : i32
    %swap3A_234 = arith.index_cast %swap3A_233 : i32 to index
    %swap3A_235 = arith.constant 0 : index
    %swap3A_236 = tpu.vector_load %arg7[%swap3A_234, %swap3A_235] {strides = array<i32>} : memref<64x16xf32, #tpu.memory_space<vmem>>, vector<1x16xf32>,
    %swap3A_237 = vector.shape_cast %swap3A_236 : vector<1x16xf32> to vector<16xf32>
    %swap3A_238 = vector.shape_cast %broadcast_in_dim3A_232 : vector<16xf32> to vector<1x16xf32>
    tpu.vector_store %arg7[%swap3A_234, %swap3A_235], %swap3A_238 {strides = array<i32>} : memref<64x16xf32, #tpu.memory_space<vmem>>, vector<1x16xf32>,
    %broadcast_in_dim3A_239 = arith.constant 0.000000e+00 : f32
    %broadcast_in_dim3A_240 = vector.broadcast %broadcast_in_dim3A_239 : f32 to vector<16xf32>
    %swap3A_241 = arith.constant 30 : i32
    %swap3A_242 = arith.index_cast %swap3A_241 : i32 to index
    %swap3A_243 = arith.constant 0 : index
    %swap3A_244 = tpu.vector_load %arg7[%swap3A_242, %swap3A_243] {strides = array<i32>} : memref<64x16xf32, #tpu.memory_space<vmem>>, vector<1x16xf32>,
    %swap3A_245 = vector.shape_cast %swap3A_244 : vector<1x16xf32> to vector<16xf32>
    %swap3A_246 = vector.shape_cast %broadcast_in_dim3A_240 : vector<16xf32> to vector<1x16xf32>
    tpu.vector_store %arg7[%swap3A_242, %swap3A_243], %swap3A_246 {strides = array<i32>} : memref<64x16xf32, #tpu.memory_space<vmem>>, vector<1x16xf32>,
    %broadcast_in_dim3A_247 = arith.constant 0.000000e+00 : f32
    %broadcast_in_dim3A_248 = vector.broadcast %broadcast_in_dim3A_247 : f32 to vector<16xf32>
    %swap3A_249 = arith.constant 31 : i32
    %swap3A_250 = arith.index_cast %swap3A_249 : i32 to index
    %swap3A_251 = arith.constant 0 : index
    %swap3A_252 = tpu.vector_load %arg7[%swap3A_250, %swap3A_251] {strides = array<i32>} : memref<64x16xf32, #tpu.memory_space<vmem>>, vector<1x16xf32>,
    %swap3A_253 = vector.shape_cast %swap3A_252 : vector<1x16xf32> to vector<16xf32>
    %swap3A_254 = vector.shape_cast %broadcast_in_dim3A_248 : vector<16xf32> to vector<1x16xf32>
    tpu.vector_store %arg7[%swap3A_250, %swap3A_251], %swap3A_254 {strides = array<i32>} : memref<64x16xf32, #tpu.memory_space<vmem>>, vector<1x16xf32>,
    %broadcast_in_dim3A_255 = arith.constant 0.000000e+00 : f32
    %broadcast_in_dim3A_256 = vector.broadcast %broadcast_in_dim3A_255 : f32 to vector<16xf32>
    %swap3A_257 = arith.constant 32 : i32
    %swap3A_258 = arith.index_cast %swap3A_257 : i32 to index
    %swap3A_259 = arith.constant 0 : index
    %swap3A_260 = tpu.vector_load %arg7[%swap3A_258, %swap3A_259] {strides = array<i32>} : memref<64x16xf32, #tpu.memory_space<vmem>>, vector<1x16xf32>,
    %swap3A_261 = vector.shape_cast %swap3A_260 : vector<1x16xf32> to vector<16xf32>
    %swap3A_262 = vector.shape_cast %broadcast_in_dim3A_256 : vector<16xf32> to vector<1x16xf32>
    tpu.vector_store %arg7[%swap3A_258, %swap3A_259], %swap3A_262 {strides = array<i32>} : memref<64x16xf32, #tpu.memory_space<vmem>>, vector<1x16xf32>,
    %broadcast_in_dim3A_263 = arith.constant 0.000000e+00 : f32
    %broadcast_in_dim3A_264 = vector.broadcast %broadcast_in_dim3A_263 : f32 to vector<16xf32>
    %swap3A_265 = arith.constant 33 : i32
    %swap3A_266 = arith.index_cast %swap3A_265 : i32 to index
    %swap3A_267 = arith.constant 0 : index
    %swap3A_268 = tpu.vector_load %arg7[%swap3A_266, %swap3A_267] {strides = array<i32>} : memref<64x16xf32, #tpu.memory_space<vmem>>, vector<1x16xf32>,
    %swap3A_269 = vector.shape_cast %swap3A_268 : vector<1x16xf32> to vector<16xf32>
    %swap3A_270 = vector.shape_cast %broadcast_in_dim3A_264 : vector<16xf32> to vector<1x16xf32>
    tpu.vector_store %arg7[%swap3A_266, %swap3A_267], %swap3A_270 {strides = array<i32>} : memref<64x16xf32, #tpu.memory_space<vmem>>, vector<1x16xf32>,
    %broadcast_in_dim3A_271 = arith.constant 0.000000e+00 : f32
    %broadcast_in_dim3A_272 = vector.broadcast %broadcast_in_dim3A_271 : f32 to vector<16xf32>
    %swap3A_273 = arith.constant 34 : i32
    %swap3A_274 = arith.index_cast %swap3A_273 : i32 to index
    %swap3A_275 = arith.constant 0 : index
    %swap3A_276 = tpu.vector_load %arg7[%swap3A_274, %swap3A_275] {strides = array<i32>} : memref<64x16xf32, #tpu.memory_space<vmem>>, vector<1x16xf32>,
    %swap3A_277 = vector.shape_cast %swap3A_276 : vector<1x16xf32> to vector<16xf32>
    %swap3A_278 = vector.shape_cast %broadcast_in_dim3A_272 : vector<16xf32> to vector<1x16xf32>
    tpu.vector_store %arg7[%swap3A_274, %swap3A_275], %swap3A_278 {strides = array<i32>} : memref<64x16xf32, #tpu.memory_space<vmem>>, vector<1x16xf32>,
    %broadcast_in_dim3A_279 = arith.constant 0.000000e+00 : f32
    %broadcast_in_dim3A_280 = vector.broadcast %broadcast_in_dim3A_279 : f32 to vector<16xf32>
    %swap3A_281 = arith.constant 35 : i32
    %swap3A_282 = arith.index_cast %swap3A_281 : i32 to index
    %swap3A_283 = arith.constant 0 : index
    %swap3A_284 = tpu.vector_load %arg7[%swap3A_282, %swap3A_283] {strides = array<i32>} : memref<64x16xf32, #tpu.memory_space<vmem>>, vector<1x16xf32>,
    %swap3A_285 = vector.shape_cast %swap3A_284 : vector<1x16xf32> to vector<16xf32>
    %swap3A_286 = vector.shape_cast %broadcast_in_dim3A_280 : vector<16xf32> to vector<1x16xf32>
    tpu.vector_store %arg7[%swap3A_282, %swap3A_283], %swap3A_286 {strides = array<i32>} : memref<64x16xf32, #tpu.memory_space<vmem>>, vector<1x16xf32>,
    %broadcast_in_dim3A_287 = arith.constant 0.000000e+00 : f32
    %broadcast_in_dim3A_288 = vector.broadcast %broadcast_in_dim3A_287 : f32 to vector<16xf32>
    %swap3A_289 = arith.constant 36 : i32
    %swap3A_290 = arith.index_cast %swap3A_289 : i32 to index
    %swap3A_291 = arith.constant 0 : index
    %swap3A_292 = tpu.vector_load %arg7[%swap3A_290, %swap3A_291] {strides = array<i32>} : memref<64x16xf32, #tpu.memory_space<vmem>>, vector<1x16xf32>,
    %swap3A_293 = vector.shape_cast %swap3A_292 : vector<1x16xf32> to vector<16xf32>
    %swap3A_294 = vector.shape_cast %broadcast_in_dim3A_288 : vector<16xf32> to vector<1x16xf32>
    tpu.vector_store %arg7[%swap3A_290, %swap3A_291], %swap3A_294 {strides = array<i32>} : memref<64x16xf32, #tpu.memory_space<vmem>>, vector<1x16xf32>,
    %broadcast_in_dim3A_295 = arith.constant 0.000000e+00 : f32
    %broadcast_in_dim3A_296 = vector.broadcast %broadcast_in_dim3A_295 : f32 to vector<16xf32>
    %swap3A_297 = arith.constant 37 : i32
    %swap3A_298 = arith.index_cast %swap3A_297 : i32 to index
    %swap3A_299 = arith.constant 0 : index
    %swap3A_300 = tpu.vector_load %arg7[%swap3A_298, %swap3A_299] {strides = array<i32>} : memref<64x16xf32, #tpu.memory_space<vmem>>, vector<1x16xf32>,
    %swap3A_301 = vector.shape_cast %swap3A_300 : vector<1x16xf32> to vector<16xf32>
    %swap3A_302 = vector.shape_cast %broadcast_in_dim3A_296 : vector<16xf32> to vector<1x16xf32>
    tpu.vector_store %arg7[%swap3A_298, %swap3A_299], %swap3A_302 {strides = array<i32>} : memref<64x16xf32, #tpu.memory_space<vmem>>, vector<1x16xf32>,
    %broadcast_in_dim3A_303 = arith.constant 0.000000e+00 : f32
    %broadcast_in_dim3A_304 = vector.broadcast %broadcast_in_dim3A_303 : f32 to vector<16xf32>
    %swap3A_305 = arith.constant 38 : i32
    %swap3A_306 = arith.index_cast %swap3A_305 : i32 to index
    %swap3A_307 = arith.constant 0 : index
    %swap3A_308 = tpu.vector_load %arg7[%swap3A_306, %swap3A_307] {strides = array<i32>} : memref<64x16xf32, #tpu.memory_space<vmem>>, vector<1x16xf32>,
    %swap3A_309 = vector.shape_cast %swap3A_308 : vector<1x16xf32> to vector<16xf32>
    %swap3A_310 = vector.shape_cast %broadcast_in_dim3A_304 : vector<16xf32> to vector<1x16xf32>
    tpu.vector_store %arg7[%swap3A_306, %swap3A_307], %swap3A_310 {strides = array<i32>} : memref<64x16xf32, #tpu.memory_space<vmem>>, vector<1x16xf32>,
    %broadcast_in_dim3A_311 = arith.constant 0.000000e+00 : f32
    %broadcast_in_dim3A_312 = vector.broadcast %broadcast_in_dim3A_311 : f32 to vector<16xf32>
    %swap3A_313 = arith.constant 39 : i32
    %swap3A_314 = arith.index_cast %swap3A_313 : i32 to index
    %swap3A_315 = arith.constant 0 : index
    %swap3A_316 = tpu.vector_load %arg7[%swap3A_314, %swap3A_315] {strides = array<i32>} : memref<64x16xf32, #tpu.memory_space<vmem>>, vector<1x16xf32>,
    %swap3A_317 = vector.shape_cast %swap3A_316 : vector<1x16xf32> to vector<16xf32>
    %swap3A_318 = vector.shape_cast %broadcast_in_dim3A_312 : vector<16xf32> to vector<1x16xf32>
    tpu.vector_store %arg7[%swap3A_314, %swap3A_315], %swap3A_318 {strides = array<i32>} : memref<64x16xf32, #tpu.memory_space<vmem>>, vector<1x16xf32>,
    %broadcast_in_dim3A_319 = arith.constant 0.000000e+00 : f32
    %broadcast_in_dim3A_320 = vector.broadcast %broadcast_in_dim3A_319 : f32 to vector<16xf32>
    %swap3A_321 = arith.constant 40 : i32
    %swap3A_322 = arith.index_cast %swap3A_321 : i32 to index
    %swap3A_323 = arith.constant 0 : index
    %swap3A_324 = tpu.vector_load %arg7[%swap3A_322, %swap3A_323] {strides = array<i32>} : memref<64x16xf32, #tpu.memory_space<vmem>>, vector<1x16xf32>,
    %swap3A_325 = vector.shape_cast %swap3A_324 : vector<1x16xf32> to vector<16xf32>
    %swap3A_326 = vector.shape_cast %broadcast_in_dim3A_320 : vector<16xf32> to vector<1x16xf32>
    tpu.vector_store %arg7[%swap3A_322, %swap3A_323], %swap3A_326 {strides = array<i32>} : memref<64x16xf32, #tpu.memory_space<vmem>>, vector<1x16xf32>,
    %broadcast_in_dim3A_327 = arith.constant 0.000000e+00 : f32
    %broadcast_in_dim3A_328 = vector.broadcast %broadcast_in_dim3A_327 : f32 to vector<16xf32>
    %swap3A_329 = arith.constant 41 : i32
    %swap3A_330 = arith.index_cast %swap3A_329 : i32 to index
    %swap3A_331 = arith.constant 0 : index
    %swap3A_332 = tpu.vector_load %arg7[%swap3A_330, %swap3A_331] {strides = array<i32>} : memref<64x16xf32, #tpu.memory_space<vmem>>, vector<1x16xf32>,
    %swap3A_333 = vector.shape_cast %swap3A_332 : vector<1x16xf32> to vector<16xf32>
    %swap3A_334 = vector.shape_cast %broadcast_in_dim3A_328 : vector<16xf32> to vector<1x16xf32>
    tpu.vector_store %arg7[%swap3A_330, %swap3A_331], %swap3A_334 {strides = array<i32>} : memref<64x16xf32, #tpu.memory_space<vmem>>, vector<1x16xf32>,
    %broadcast_in_dim3A_335 = arith.constant 0.000000e+00 : f32
    %broadcast_in_dim3A_336 = vector.broadcast %broadcast_in_dim3A_335 : f32 to vector<16xf32>
    %swap3A_337 = arith.constant 42 : i32
    %swap3A_338 = arith.index_cast %swap3A_337 : i32 to index
    %swap3A_339 = arith.constant 0 : index
    %swap3A_340 = tpu.vector_load %arg7[%swap3A_338, %swap3A_339] {strides = array<i32>} : memref<64x16xf32, #tpu.memory_space<vmem>>, vector<1x16xf32>,
    %swap3A_341 = vector.shape_cast %swap3A_340 : vector<1x16xf32> to vector<16xf32>
    %swap3A_342 = vector.shape_cast %broadcast_in_dim3A_336 : vector<16xf32> to vector<1x16xf32>
    tpu.vector_store %arg7[%swap3A_338, %swap3A_339], %swap3A_342 {strides = array<i32>} : memref<64x16xf32, #tpu.memory_space<vmem>>, vector<1x16xf32>,
    %broadcast_in_dim3A_343 = arith.constant 0.000000e+00 : f32
    %broadcast_in_dim3A_344 = vector.broadcast %broadcast_in_dim3A_343 : f32 to vector<16xf32>
    %swap3A_345 = arith.constant 43 : i32
    %swap3A_346 = arith.index_cast %swap3A_345 : i32 to index
    %swap3A_347 = arith.constant 0 : index
    %swap3A_348 = tpu.vector_load %arg7[%swap3A_346, %swap3A_347] {strides = array<i32>} : memref<64x16xf32, #tpu.memory_space<vmem>>, vector<1x16xf32>,
    %swap3A_349 = vector.shape_cast %swap3A_348 : vector<1x16xf32> to vector<16xf32>
    %swap3A_350 = vector.shape_cast %broadcast_in_dim3A_344 : vector<16xf32> to vector<1x16xf32>
    tpu.vector_store %arg7[%swap3A_346, %swap3A_347], %swap3A_350 {strides = array<i32>} : memref<64x16xf32, #tpu.memory_space<vmem>>, vector<1x16xf32>,
    %broadcast_in_dim3A_351 = arith.constant 0.000000e+00 : f32
    %broadcast_in_dim3A_352 = vector.broadcast %broadcast_in_dim3A_351 : f32 to vector<16xf32>
    %swap3A_353 = arith.constant 44 : i32
    %swap3A_354 = arith.index_cast %swap3A_353 : i32 to index
    %swap3A_355 = arith.constant 0 : index
    %swap3A_356 = tpu.vector_load %arg7[%swap3A_354, %swap3A_355] {strides = array<i32>} : memref<64x16xf32, #tpu.memory_space<vmem>>, vector<1x16xf32>,
    %swap3A_357 = vector.shape_cast %swap3A_356 : vector<1x16xf32> to vector<16xf32>
    %swap3A_358 = vector.shape_cast %broadcast_in_dim3A_352 : vector<16xf32> to vector<1x16xf32>
    tpu.vector_store %arg7[%swap3A_354, %swap3A_355], %swap3A_358 {strides = array<i32>} : memref<64x16xf32, #tpu.memory_space<vmem>>, vector<1x16xf32>,
    %broadcast_in_dim3A_359 = arith.constant 0.000000e+00 : f32
    %broadcast_in_dim3A_360 = vector.broadcast %broadcast_in_dim3A_359 : f32 to vector<16xf32>
    %swap3A_361 = arith.constant 45 : i32
    %swap3A_362 = arith.index_cast %swap3A_361 : i32 to index
    %swap3A_363 = arith.constant 0 : index
    %swap3A_364 = tpu.vector_load %arg7[%swap3A_362, %swap3A_363] {strides = array<i32>} : memref<64x16xf32, #tpu.memory_space<vmem>>, vector<1x16xf32>,
    %swap3A_365 = vector.shape_cast %swap3A_364 : vector<1x16xf32> to vector<16xf32>
    %swap3A_366 = vector.shape_cast %broadcast_in_dim3A_360 : vector<16xf32> to vector<1x16xf32>
    tpu.vector_store %arg7[%swap3A_362, %swap3A_363], %swap3A_366 {strides = array<i32>} : memref<64x16xf32, #tpu.memory_space<vmem>>, vector<1x16xf32>,
    %broadcast_in_dim3A_367 = arith.constant 0.000000e+00 : f32
    %broadcast_in_dim3A_368 = vector.broadcast %broadcast_in_dim3A_367 : f32 to vector<16xf32>
    %swap3A_369 = arith.constant 46 : i32
    %swap3A_370 = arith.index_cast %swap3A_369 : i32 to index
    %swap3A_371 = arith.constant 0 : index
    %swap3A_372 = tpu.vector_load %arg7[%swap3A_370, %swap3A_371] {strides = array<i32>} : memref<64x16xf32, #tpu.memory_space<vmem>>, vector<1x16xf32>,
    %swap3A_373 = vector.shape_cast %swap3A_372 : vector<1x16xf32> to vector<16xf32>
    %swap3A_374 = vector.shape_cast %broadcast_in_dim3A_368 : vector<16xf32> to vector<1x16xf32>
    tpu.vector_store %arg7[%swap3A_370, %swap3A_371], %swap3A_374 {strides = array<i32>} : memref<64x16xf32, #tpu.memory_space<vmem>>, vector<1x16xf32>,
    %broadcast_in_dim3A_375 = arith.constant 0.000000e+00 : f32
    %broadcast_in_dim3A_376 = vector.broadcast %broadcast_in_dim3A_375 : f32 to vector<16xf32>
    %swap3A_377 = arith.constant 47 : i32
    %swap3A_378 = arith.index_cast %swap3A_377 : i32 to index
    %swap3A_379 = arith.constant 0 : index
    %swap3A_380 = tpu.vector_load %arg7[%swap3A_378, %swap3A_379] {strides = array<i32>} : memref<64x16xf32, #tpu.memory_space<vmem>>, vector<1x16xf32>,
    %swap3A_381 = vector.shape_cast %swap3A_380 : vector<1x16xf32> to vector<16xf32>
    %swap3A_382 = vector.shape_cast %broadcast_in_dim3A_376 : vector<16xf32> to vector<1x16xf32>
    tpu.vector_store %arg7[%swap3A_378, %swap3A_379], %swap3A_382 {strides = array<i32>} : memref<64x16xf32, #tpu.memory_space<vmem>>, vector<1x16xf32>,
    %broadcast_in_dim3A_383 = arith.constant 0.000000e+00 : f32
    %broadcast_in_dim3A_384 = vector.broadcast %broadcast_in_dim3A_383 : f32 to vector<16xf32>
    %swap3A_385 = arith.constant 48 : i32
    %swap3A_386 = arith.index_cast %swap3A_385 : i32 to index
    %swap3A_387 = arith.constant 0 : index
    %swap3A_388 = tpu.vector_load %arg7[%swap3A_386, %swap3A_387] {strides = array<i32>} : memref<64x16xf32, #tpu.memory_space<vmem>>, vector<1x16xf32>,
    %swap3A_389 = vector.shape_cast %swap3A_388 : vector<1x16xf32> to vector<16xf32>
    %swap3A_390 = vector.shape_cast %broadcast_in_dim3A_384 : vector<16xf32> to vector<1x16xf32>
    tpu.vector_store %arg7[%swap3A_386, %swap3A_387], %swap3A_390 {strides = array<i32>} : memref<64x16xf32, #tpu.memory_space<vmem>>, vector<1x16xf32>,
    %broadcast_in_dim3A_391 = arith.constant 0.000000e+00 : f32
    %broadcast_in_dim3A_392 = vector.broadcast %broadcast_in_dim3A_391 : f32 to vector<16xf32>
    %swap3A_393 = arith.constant 49 : i32
    %swap3A_394 = arith.index_cast %swap3A_393 : i32 to index
    %swap3A_395 = arith.constant 0 : index
    %swap3A_396 = tpu.vector_load %arg7[%swap3A_394, %swap3A_395] {strides = array<i32>} : memref<64x16xf32, #tpu.memory_space<vmem>>, vector<1x16xf32>,
    %swap3A_397 = vector.shape_cast %swap3A_396 : vector<1x16xf32> to vector<16xf32>
    %swap3A_398 = vector.shape_cast %broadcast_in_dim3A_392 : vector<16xf32> to vector<1x16xf32>
    tpu.vector_store %arg7[%swap3A_394, %swap3A_395], %swap3A_398 {strides = array<i32>} : memref<64x16xf32, #tpu.memory_space<vmem>>, vector<1x16xf32>,
    %broadcast_in_dim3A_399 = arith.constant 0.000000e+00 : f32
    %broadcast_in_dim3A_400 = vector.broadcast %broadcast_in_dim3A_399 : f32 to vector<16xf32>
    %swap3A_401 = arith.constant 50 : i32
    %swap3A_402 = arith.index_cast %swap3A_401 : i32 to index
    %swap3A_403 = arith.constant 0 : index
    %swap3A_404 = tpu.vector_load %arg7[%swap3A_402, %swap3A_403] {strides = array<i32>} : memref<64x16xf32, #tpu.memory_space<vmem>>, vector<1x16xf32>,
    %swap3A_405 = vector.shape_cast %swap3A_404 : vector<1x16xf32> to vector<16xf32>
    %swap3A_406 = vector.shape_cast %broadcast_in_dim3A_400 : vector<16xf32> to vector<1x16xf32>
    tpu.vector_store %arg7[%swap3A_402, %swap3A_403], %swap3A_406 {strides = array<i32>} : memref<64x16xf32, #tpu.memory_space<vmem>>, vector<1x16xf32>,
    %broadcast_in_dim3A_407 = arith.constant 0.000000e+00 : f32
    %broadcast_in_dim3A_408 = vector.broadcast %broadcast_in_dim3A_407 : f32 to vector<16xf32>
    %swap3A_409 = arith.constant 51 : i32
    %swap3A_410 = arith.index_cast %swap3A_409 : i32 to index
    %swap3A_411 = arith.constant 0 : index
    %swap3A_412 = tpu.vector_load %arg7[%swap3A_410, %swap3A_411] {strides = array<i32>} : memref<64x16xf32, #tpu.memory_space<vmem>>, vector<1x16xf32>,
    %swap3A_413 = vector.shape_cast %swap3A_412 : vector<1x16xf32> to vector<16xf32>
    %swap3A_414 = vector.shape_cast %broadcast_in_dim3A_408 : vector<16xf32> to vector<1x16xf32>
    tpu.vector_store %arg7[%swap3A_410, %swap3A_411], %swap3A_414 {strides = array<i32>} : memref<64x16xf32, #tpu.memory_space<vmem>>, vector<1x16xf32>,
    %broadcast_in_dim3A_415 = arith.constant 0.000000e+00 : f32
    %broadcast_in_dim3A_416 = vector.broadcast %broadcast_in_dim3A_415 : f32 to vector<16xf32>
    %swap3A_417 = arith.constant 52 : i32
    %swap3A_418 = arith.index_cast %swap3A_417 : i32 to index
    %swap3A_419 = arith.constant 0 : index
    %swap3A_420 = tpu.vector_load %arg7[%swap3A_418, %swap3A_419] {strides = array<i32>} : memref<64x16xf32, #tpu.memory_space<vmem>>, vector<1x16xf32>,
    %swap3A_421 = vector.shape_cast %swap3A_420 : vector<1x16xf32> to vector<16xf32>
    %swap3A_422 = vector.shape_cast %broadcast_in_dim3A_416 : vector<16xf32> to vector<1x16xf32>
    tpu.vector_store %arg7[%swap3A_418, %swap3A_419], %swap3A_422 {strides = array<i32>} : memref<64x16xf32, #tpu.memory_space<vmem>>, vector<1x16xf32>,
    %broadcast_in_dim3A_423 = arith.constant 0.000000e+00 : f32
    %broadcast_in_dim3A_424 = vector.broadcast %broadcast_in_dim3A_423 : f32 to vector<16xf32>
    %swap3A_425 = arith.constant 53 : i32
    %swap3A_426 = arith.index_cast %swap3A_425 : i32 to index
    %swap3A_427 = arith.constant 0 : index
    %swap3A_428 = tpu.vector_load %arg7[%swap3A_426, %swap3A_427] {strides = array<i32>} : memref<64x16xf32, #tpu.memory_space<vmem>>, vector<1x16xf32>,
    %swap3A_429 = vector.shape_cast %swap3A_428 : vector<1x16xf32> to vector<16xf32>
    %swap3A_430 = vector.shape_cast %broadcast_in_dim3A_424 : vector<16xf32> to vector<1x16xf32>
    tpu.vector_store %arg7[%swap3A_426, %swap3A_427], %swap3A_430 {strides = array<i32>} : memref<64x16xf32, #tpu.memory_space<vmem>>, vector<1x16xf32>,
    %broadcast_in_dim3A_431 = arith.constant 0.000000e+00 : f32
    %broadcast_in_dim3A_432 = vector.broadcast %broadcast_in_dim3A_431 : f32 to vector<16xf32>
    %swap3A_433 = arith.constant 54 : i32
    %swap3A_434 = arith.index_cast %swap3A_433 : i32 to index
    %swap3A_435 = arith.constant 0 : index
    %swap3A_436 = tpu.vector_load %arg7[%swap3A_434, %swap3A_435] {strides = array<i32>} : memref<64x16xf32, #tpu.memory_space<vmem>>, vector<1x16xf32>,
    %swap3A_437 = vector.shape_cast %swap3A_436 : vector<1x16xf32> to vector<16xf32>
    %swap3A_438 = vector.shape_cast %broadcast_in_dim3A_432 : vector<16xf32> to vector<1x16xf32>
    tpu.vector_store %arg7[%swap3A_434, %swap3A_435], %swap3A_438 {strides = array<i32>} : memref<64x16xf32, #tpu.memory_space<vmem>>, vector<1x16xf32>,
    %broadcast_in_dim3A_439 = arith.constant 0.000000e+00 : f32
    %broadcast_in_dim3A_440 = vector.broadcast %broadcast_in_dim3A_439 : f32 to vector<16xf32>
    %swap3A_441 = arith.constant 55 : i32
    %swap3A_442 = arith.index_cast %swap3A_441 : i32 to index
    %swap3A_443 = arith.constant 0 : index
    %swap3A_444 = tpu.vector_load %arg7[%swap3A_442, %swap3A_443] {strides = array<i32>} : memref<64x16xf32, #tpu.memory_space<vmem>>, vector<1x16xf32>,
    %swap3A_445 = vector.shape_cast %swap3A_444 : vector<1x16xf32> to vector<16xf32>
    %swap3A_446 = vector.shape_cast %broadcast_in_dim3A_440 : vector<16xf32> to vector<1x16xf32>
    tpu.vector_store %arg7[%swap3A_442, %swap3A_443], %swap3A_446 {strides = array<i32>} : memref<64x16xf32, #tpu.memory_space<vmem>>, vector<1x16xf32>,
    %broadcast_in_dim3A_447 = arith.constant 0.000000e+00 : f32
    %broadcast_in_dim3A_448 = vector.broadcast %broadcast_in_dim3A_447 : f32 to vector<16xf32>
    %swap3A_449 = arith.constant 56 : i32
    %swap3A_450 = arith.index_cast %swap3A_449 : i32 to index
    %swap3A_451 = arith.constant 0 : index
    %swap3A_452 = tpu.vector_load %arg7[%swap3A_450, %swap3A_451] {strides = array<i32>} : memref<64x16xf32, #tpu.memory_space<vmem>>, vector<1x16xf32>,
    %swap3A_453 = vector.shape_cast %swap3A_452 : vector<1x16xf32> to vector<16xf32>
    %swap3A_454 = vector.shape_cast %broadcast_in_dim3A_448 : vector<16xf32> to vector<1x16xf32>
    tpu.vector_store %arg7[%swap3A_450, %swap3A_451], %swap3A_454 {strides = array<i32>} : memref<64x16xf32, #tpu.memory_space<vmem>>, vector<1x16xf32>,
    %broadcast_in_dim3A_455 = arith.constant 0.000000e+00 : f32
    %broadcast_in_dim3A_456 = vector.broadcast %broadcast_in_dim3A_455 : f32 to vector<16xf32>
    %swap3A_457 = arith.constant 57 : i32
    %swap3A_458 = arith.index_cast %swap3A_457 : i32 to index
    %swap3A_459 = arith.constant 0 : index
    %swap3A_460 = tpu.vector_load %arg7[%swap3A_458, %swap3A_459] {strides = array<i32>} : memref<64x16xf32, #tpu.memory_space<vmem>>, vector<1x16xf32>,
    %swap3A_461 = vector.shape_cast %swap3A_460 : vector<1x16xf32> to vector<16xf32>
    %swap3A_462 = vector.shape_cast %broadcast_in_dim3A_456 : vector<16xf32> to vector<1x16xf32>
    tpu.vector_store %arg7[%swap3A_458, %swap3A_459], %swap3A_462 {strides = array<i32>} : memref<64x16xf32, #tpu.memory_space<vmem>>, vector<1x16xf32>,
    %broadcast_in_dim3A_463 = arith.constant 0.000000e+00 : f32
    %broadcast_in_dim3A_464 = vector.broadcast %broadcast_in_dim3A_463 : f32 to vector<16xf32>
    %swap3A_465 = arith.constant 58 : i32
    %swap3A_466 = arith.index_cast %swap3A_465 : i32 to index
    %swap3A_467 = arith.constant 0 : index
    %swap3A_468 = tpu.vector_load %arg7[%swap3A_466, %swap3A_467] {strides = array<i32>} : memref<64x16xf32, #tpu.memory_space<vmem>>, vector<1x16xf32>,
    %swap3A_469 = vector.shape_cast %swap3A_468 : vector<1x16xf32> to vector<16xf32>
    %swap3A_470 = vector.shape_cast %broadcast_in_dim3A_464 : vector<16xf32> to vector<1x16xf32>
    tpu.vector_store %arg7[%swap3A_466, %swap3A_467], %swap3A_470 {strides = array<i32>} : memref<64x16xf32, #tpu.memory_space<vmem>>, vector<1x16xf32>,
    %broadcast_in_dim3A_471 = arith.constant 0.000000e+00 : f32
    %broadcast_in_dim3A_472 = vector.broadcast %broadcast_in_dim3A_471 : f32 to vector<16xf32>
    %swap3A_473 = arith.constant 59 : i32
    %swap3A_474 = arith.index_cast %swap3A_473 : i32 to index
    %swap3A_475 = arith.constant 0 : index
    %swap3A_476 = tpu.vector_load %arg7[%swap3A_474, %swap3A_475] {strides = array<i32>} : memref<64x16xf32, #tpu.memory_space<vmem>>, vector<1x16xf32>,
    %swap3A_477 = vector.shape_cast %swap3A_476 : vector<1x16xf32> to vector<16xf32>
    %swap3A_478 = vector.shape_cast %broadcast_in_dim3A_472 : vector<16xf32> to vector<1x16xf32>
    tpu.vector_store %arg7[%swap3A_474, %swap3A_475], %swap3A_478 {strides = array<i32>} : memref<64x16xf32, #tpu.memory_space<vmem>>, vector<1x16xf32>,
    %broadcast_in_dim3A_479 = arith.constant 0.000000e+00 : f32
    %broadcast_in_dim3A_480 = vector.broadcast %broadcast_in_dim3A_479 : f32 to vector<16xf32>
    %swap3A_481 = arith.constant 60 : i32
    %swap3A_482 = arith.index_cast %swap3A_481 : i32 to index
    %swap3A_483 = arith.constant 0 : index
    %swap3A_484 = tpu.vector_load %arg7[%swap3A_482, %swap3A_483] {strides = array<i32>} : memref<64x16xf32, #tpu.memory_space<vmem>>, vector<1x16xf32>,
    %swap3A_485 = vector.shape_cast %swap3A_484 : vector<1x16xf32> to vector<16xf32>
    %swap3A_486 = vector.shape_cast %broadcast_in_dim3A_480 : vector<16xf32> to vector<1x16xf32>
    tpu.vector_store %arg7[%swap3A_482, %swap3A_483], %swap3A_486 {strides = array<i32>} : memref<64x16xf32, #tpu.memory_space<vmem>>, vector<1x16xf32>,
    %broadcast_in_dim3A_487 = arith.constant 0.000000e+00 : f32
    %broadcast_in_dim3A_488 = vector.broadcast %broadcast_in_dim3A_487 : f32 to vector<16xf32>
    %swap3A_489 = arith.constant 61 : i32
    %swap3A_490 = arith.index_cast %swap3A_489 : i32 to index
    %swap3A_491 = arith.constant 0 : index
    %swap3A_492 = tpu.vector_load %arg7[%swap3A_490, %swap3A_491] {strides = array<i32>} : memref<64x16xf32, #tpu.memory_space<vmem>>, vector<1x16xf32>,
    %swap3A_493 = vector.shape_cast %swap3A_492 : vector<1x16xf32> to vector<16xf32>
    %swap3A_494 = vector.shape_cast %broadcast_in_dim3A_488 : vector<16xf32> to vector<1x16xf32>
    tpu.vector_store %arg7[%swap3A_490, %swap3A_491], %swap3A_494 {strides = array<i32>} : memref<64x16xf32, #tpu.memory_space<vmem>>, vector<1x16xf32>,
    %broadcast_in_dim3A_495 = arith.constant 0.000000e+00 : f32
    %broadcast_in_dim3A_496 = vector.broadcast %broadcast_in_dim3A_495 : f32 to vector<16xf32>
    %swap3A_497 = arith.constant 62 : i32
    %swap3A_498 = arith.index_cast %swap3A_497 : i32 to index
    %swap3A_499 = arith.constant 0 : index
    %swap3A_500 = tpu.vector_load %arg7[%swap3A_498, %swap3A_499] {strides = array<i32>} : memref<64x16xf32, #tpu.memory_space<vmem>>, vector<1x16xf32>,
    %swap3A_501 = vector.shape_cast %swap3A_500 : vector<1x16xf32> to vector<16xf32>
    %swap3A_502 = vector.shape_cast %broadcast_in_dim3A_496 : vector<16xf32> to vector<1x16xf32>
    tpu.vector_store %arg7[%swap3A_498, %swap3A_499], %swap3A_502 {strides = array<i32>} : memref<64x16xf32, #tpu.memory_space<vmem>>, vector<1x16xf32>,
    %broadcast_in_dim3A_503 = arith.constant 0.000000e+00 : f32
    %broadcast_in_dim3A_504 = vector.broadcast %broadcast_in_dim3A_503 : f32 to vector<16xf32>
    %swap3A_505 = arith.constant 63 : i32
    %swap3A_506 = arith.index_cast %swap3A_505 : i32 to index
    %swap3A_507 = arith.constant 0 : index
    %swap3A_508 = tpu.vector_load %arg7[%swap3A_506, %swap3A_507] {strides = array<i32>} : memref<64x16xf32, #tpu.memory_space<vmem>>, vector<1x16xf32>,
    %swap3A_509 = vector.shape_cast %swap3A_508 : vector<1x16xf32> to vector<16xf32>
    %swap3A_510 = vector.shape_cast %broadcast_in_dim3A_504 : vector<16xf32> to vector<1x16xf32>
    tpu.vector_store %arg7[%swap3A_506, %swap3A_507], %swap3A_510 {strides = array<i32>} : memref<64x16xf32, #tpu.memory_space<vmem>>, vector<1x16xf32>,
    %mul3A_511 = arith.constant 64 : i32
    %mul3A_512 = arith.muli %arg1, %mul3A_511 : i32
    "tpu.region"() ({
      %run_scoped3A = tpu.sem_alloc : memref<!tpu.dma_semaphore, #tpu.memory_space<semaphore_mem>>
      %dma_start3A = arith.constant 0 : i32
      %dma_start3A_528 = tpu.memref_slice %arg8[%mul3A_512, %dma_start3A] : memref<1024x16xf32, #tpu.memory_space<vmem_shared>> -> memref<64x16xf32, #tpu.memory_space<vmem_shared>>
      %dma_start3A_529 = arith.constant 0 : i32
      %dma_start3A_530 = tpu.memref_slice %arg8[%mul3A_512, %dma_start3A_529] : memref<1024x16xf32, #tpu.memory_space<vmem_shared>> -> memref<64x16xf32, #tpu.memory_space<vmem_shared>>
      tpu.enqueue_dma source(%arg7 : memref<64x16xf32, #tpu.memory_space<vmem>>) target(%dma_start3A_530 : memref<64x16xf32, #tpu.memory_space<vmem_shared>>) target_semaphore(%run_scoped3A : memref<!tpu.dma_semaphore, #tpu.memory_space<semaphore_mem>>)
      %dma_wait3A = arith.constant 0 : i32
      %dma_wait3A_531 = tpu.memref_slice %arg8[%mul3A_512, %dma_wait3A] : memref<1024x16xf32, #tpu.memory_space<vmem_shared>> -> memref<64x16xf32, #tpu.memory_space<vmem_shared>>
      %dma_wait3A_532 = arith.constant 0 : i32
      %dma_wait3A_533 = tpu.memref_slice %arg8[%mul3A_512, %dma_wait3A_532] : memref<1024x16xf32, #tpu.memory_space<vmem_shared>> -> memref<64x16xf32, #tpu.memory_space<vmem_shared>>
      tpu.wait_dma2 semaphore(%run_scoped3A : memref<!tpu.dma_semaphore, #tpu.memory_space<semaphore_mem>>) src(%arg7 : memref<64x16xf32, #tpu.memory_space<vmem>>) dst(%dma_wait3A_533 : memref<64x16xf32, #tpu.memory_space<vmem_shared>>)
      tpu.yield
    }) : () -> ()
    %barrier3A = arith.constant 0 : index
    tpu.barrier barrier_id(%barrier3A)
    %mul3A_513 = arith.constant 10000 : i32
    %mul3A_514 = arith.muli %add3A, %mul3A_513 : i32
    %add3A_515 = arith.constant 0 : i32
    %add3A_516 = arith.addi %mul3A_514, %add3A_515 : i32
    "tpu.region"() ({
      %run_scoped3A = tpu.sem_alloc : memref<!tpu.dma_semaphore, #tpu.memory_space<semaphore_mem>>
      %dma_start3A = arith.constant 0 : i32
      %dma_start3A_528 = tpu.memref_slice %arg2[%add3A_516, %dma_start3A] : memref<320000x16xf32, #tpu.memory_space<hbm>> -> memref<5000x16xf32, #tpu.memory_space<hbm>>
      %dma_start3A_529 = arith.constant 0 : i32
      %dma_start3A_530 = tpu.memref_slice %arg2[%add3A_516, %dma_start3A_529] : memref<320000x16xf32, #tpu.memory_space<hbm>> -> memref<5000x16xf32, #tpu.memory_space<hbm>>
      tpu.enqueue_dma source(%dma_start3A_530 : memref<5000x16xf32, #tpu.memory_space<hbm>>) target(%arg5 : memref<5000x16xf32, #tpu.memory_space<vmem>>) target_semaphore(%run_scoped3A : memref<!tpu.dma_semaphore, #tpu.memory_space<semaphore_mem>>)
      %dma_wait3A = arith.constant 0 : i32
      %dma_wait3A_531 = tpu.memref_slice %arg2[%add3A_516, %dma_wait3A] : memref<320000x16xf32, #tpu.memory_space<hbm>> -> memref<5000x16xf32, #tpu.memory_space<hbm>>
      %dma_wait3A_532 = arith.constant 0 : i32
      %dma_wait3A_533 = tpu.memref_slice %arg2[%add3A_516, %dma_wait3A_532] : memref<320000x16xf32, #tpu.memory_space<hbm>> -> memref<5000x16xf32, #tpu.memory_space<hbm>>
      tpu.wait_dma2 semaphore(%run_scoped3A : memref<!tpu.dma_semaphore, #tpu.memory_space<semaphore_mem>>) src(%dma_wait3A_533 : memref<5000x16xf32, #tpu.memory_space<hbm>>) dst(%arg5 : memref<5000x16xf32, #tpu.memory_space<vmem>>)
      tpu.yield
    }) : () -> ()
    %add3A_517 = arith.constant 0 : i32
    %add3A_518 = arith.addi %mul3A_514, %add3A_517 : i32
    "tpu.region"() ({
      %run_scoped3A = tpu.sem_alloc : memref<!tpu.dma_semaphore, #tpu.memory_space<semaphore_mem>>
      %dma_start3A = tpu.memref_slice %arg3[%add3A_518] : memref<320000xi32, #tpu.memory_space<hbm>> -> memref<5000xi32, #tpu.memory_space<hbm>>
      %dma_start3A_528 = tpu.memref_slice %arg3[%add3A_518] : memref<320000xi32, #tpu.memory_space<hbm>> -> memref<5000xi32, #tpu.memory_space<hbm>>
      tpu.enqueue_dma source(%dma_start3A_528 : memref<5000xi32, #tpu.memory_space<hbm>>) target(%arg6 : memref<5000xi32, #tpu.memory_space<vmem>>) target_semaphore(%run_scoped3A : memref<!tpu.dma_semaphore, #tpu.memory_space<semaphore_mem>>)
      %dma_wait3A = tpu.memref_slice %arg3[%add3A_518] : memref<320000xi32, #tpu.memory_space<hbm>> -> memref<5000xi32, #tpu.memory_space<hbm>>
      %dma_wait3A_529 = tpu.memref_slice %arg3[%add3A_518] : memref<320000xi32, #tpu.memory_space<hbm>> -> memref<5000xi32, #tpu.memory_space<hbm>>
      tpu.wait_dma2 semaphore(%run_scoped3A : memref<!tpu.dma_semaphore, #tpu.memory_space<semaphore_mem>>) src(%dma_wait3A_529 : memref<5000xi32, #tpu.memory_space<hbm>>) dst(%arg6 : memref<5000xi32, #tpu.memory_space<vmem>>)
      tpu.yield
    }) : () -> ()
    "tpu.region"() ({
      %run_scoped3A = tpu.sem_alloc : memref<!tpu.dma_semaphore, #tpu.memory_space<semaphore_mem>>
      %dma_start3A = arith.constant 0 : i32
      %dma_start3A_528 = arith.constant 0 : i32
      %dma_start3A_529 = tpu.memref_slice %arg8[%dma_start3A, %dma_start3A_528] : memref<1024x16xf32, #tpu.memory_space<vmem_shared>> -> memref<1024x16xf32, #tpu.memory_space<vmem_shared>>
      tpu.enqueue_indirect_dma source(%arg5 : memref<5000x16xf32, #tpu.memory_space<vmem>>) target(%dma_start3A_529 : memref<1024x16xf32, #tpu.memory_space<vmem_shared>>) offsets(%arg6 : memref<5000xi32, #tpu.memory_space<vmem>>) semaphore(%run_scoped3A : memref<!tpu.dma_semaphore, #tpu.memory_space<semaphore_mem>>) {add = true}
      %dma_wait3A = arith.constant 0 : i32
      %dma_wait3A_530 = arith.constant 0 : i32
      %dma_wait3A_531 = tpu.memref_slice %arg8[%dma_wait3A, %dma_wait3A_530] : memref<1024x16xf32, #tpu.memory_space<vmem_shared>> -> memref<1024x16xf32, #tpu.memory_space<vmem_shared>>
      tpu.wait_indirect_dma semaphore(%run_scoped3A : memref<!tpu.dma_semaphore, #tpu.memory_space<semaphore_mem>>) src(%arg5 : memref<5000x16xf32, #tpu.memory_space<vmem>>) dst(%dma_wait3A_531 : memref<1024x16xf32, #tpu.memory_space<vmem_shared>>)
      tpu.yield
    }) : () -> ()
    %add3A_519 = arith.constant 5000 : i32
    %add3A_520 = arith.addi %mul3A_514, %add3A_519 : i32
    "tpu.region"() ({
      %run_scoped3A = tpu.sem_alloc : memref<!tpu.dma_semaphore, #tpu.memory_space<semaphore_mem>>
      %dma_start3A = arith.constant 0 : i32
      %dma_start3A_528 = tpu.memref_slice %arg2[%add3A_520, %dma_start3A] : memref<320000x16xf32, #tpu.memory_space<hbm>> -> memref<5000x16xf32, #tpu.memory_space<hbm>>
      %dma_start3A_529 = arith.constant 0 : i32
      %dma_start3A_530 = tpu.memref_slice %arg2[%add3A_520, %dma_start3A_529] : memref<320000x16xf32, #tpu.memory_space<hbm>> -> memref<5000x16xf32, #tpu.memory_space<hbm>>
      tpu.enqueue_dma source(%dma_start3A_530 : memref<5000x16xf32, #tpu.memory_space<hbm>>) target(%arg5 : memref<5000x16xf32, #tpu.memory_space<vmem>>) target_semaphore(%run_scoped3A : memref<!tpu.dma_semaphore, #tpu.memory_space<semaphore_mem>>)
      %dma_wait3A = arith.constant 0 : i32
      %dma_wait3A_531 = tpu.memref_slice %arg2[%add3A_520, %dma_wait3A] : memref<320000x16xf32, #tpu.memory_space<hbm>> -> memref<5000x16xf32, #tpu.memory_space<hbm>>
      %dma_wait3A_532 = arith.constant 0 : i32
      %dma_wait3A_533 = tpu.memref_slice %arg2[%add3A_520, %dma_wait3A_532] : memref<320000x16xf32, #tpu.memory_space<hbm>> -> memref<5000x16xf32, #tpu.memory_space<hbm>>
      tpu.wait_dma2 semaphore(%run_scoped3A : memref<!tpu.dma_semaphore, #tpu.memory_space<semaphore_mem>>) src(%dma_wait3A_533 : memref<5000x16xf32, #tpu.memory_space<hbm>>) dst(%arg5 : memref<5000x16xf32, #tpu.memory_space<vmem>>)
      tpu.yield
    }) : () -> ()
    %add3A_521 = arith.constant 5000 : i32
    %add3A_522 = arith.addi %mul3A_514, %add3A_521 : i32
    "tpu.region"() ({
      %run_scoped3A = tpu.sem_alloc : memref<!tpu.dma_semaphore, #tpu.memory_space<semaphore_mem>>
      %dma_start3A = tpu.memref_slice %arg3[%add3A_522] : memref<320000xi32, #tpu.memory_space<hbm>> -> memref<5000xi32, #tpu.memory_space<hbm>>
      %dma_start3A_528 = tpu.memref_slice %arg3[%add3A_522] : memref<320000xi32, #tpu.memory_space<hbm>> -> memref<5000xi32, #tpu.memory_space<hbm>>
      tpu.enqueue_dma source(%dma_start3A_528 : memref<5000xi32, #tpu.memory_space<hbm>>) target(%arg6 : memref<5000xi32, #tpu.memory_space<vmem>>) target_semaphore(%run_scoped3A : memref<!tpu.dma_semaphore, #tpu.memory_space<semaphore_mem>>)
      %dma_wait3A = tpu.memref_slice %arg3[%add3A_522] : memref<320000xi32, #tpu.memory_space<hbm>> -> memref<5000xi32, #tpu.memory_space<hbm>>
      %dma_wait3A_529 = tpu.memref_slice %arg3[%add3A_522] : memref<320000xi32, #tpu.memory_space<hbm>> -> memref<5000xi32, #tpu.memory_space<hbm>>
      tpu.wait_dma2 semaphore(%run_scoped3A : memref<!tpu.dma_semaphore, #tpu.memory_space<semaphore_mem>>) src(%dma_wait3A_529 : memref<5000xi32, #tpu.memory_space<hbm>>) dst(%arg6 : memref<5000xi32, #tpu.memory_space<vmem>>)
      tpu.yield
    }) : () -> ()
    "tpu.region"() ({
      %run_scoped3A = tpu.sem_alloc : memref<!tpu.dma_semaphore, #tpu.memory_space<semaphore_mem>>
      %dma_start3A = arith.constant 0 : i32
      %dma_start3A_528 = arith.constant 0 : i32
      %dma_start3A_529 = tpu.memref_slice %arg8[%dma_start3A, %dma_start3A_528] : memref<1024x16xf32, #tpu.memory_space<vmem_shared>> -> memref<1024x16xf32, #tpu.memory_space<vmem_shared>>
      tpu.enqueue_indirect_dma source(%arg5 : memref<5000x16xf32, #tpu.memory_space<vmem>>) target(%dma_start3A_529 : memref<1024x16xf32, #tpu.memory_space<vmem_shared>>) offsets(%arg6 : memref<5000xi32, #tpu.memory_space<vmem>>) semaphore(%run_scoped3A : memref<!tpu.dma_semaphore, #tpu.memory_space<semaphore_mem>>) {add = true}
      %dma_wait3A = arith.constant 0 : i32
      %dma_wait3A_530 = arith.constant 0 : i32
      %dma_wait3A_531 = tpu.memref_slice %arg8[%dma_wait3A, %dma_wait3A_530] : memref<1024x16xf32, #tpu.memory_space<vmem_shared>> -> memref<1024x16xf32, #tpu.memory_space<vmem_shared>>
      tpu.wait_indirect_dma semaphore(%run_scoped3A : memref<!tpu.dma_semaphore, #tpu.memory_space<semaphore_mem>>) src(%arg5 : memref<5000x16xf32, #tpu.memory_space<vmem>>) dst(%dma_wait3A_531 : memref<1024x16xf32, #tpu.memory_space<vmem_shared>>)
      tpu.yield
    }) : () -> ()
    %barrier3A_523 = arith.constant 0 : index
    tpu.barrier barrier_id(%barrier3A_523)
    %mul3A_524 = arith.constant 64 : i32
    %mul3A_525 = arith.muli %arg1, %mul3A_524 : i32
    %mul3A_526 = arith.constant 64 : i32
    %mul3A_527 = arith.muli %arg1, %mul3A_526 : i32
    "tpu.region"() ({
      %run_scoped3A = tpu.sem_alloc : memref<!tpu.dma_semaphore, #tpu.memory_space<semaphore_mem>>
      %dma_start3A = arith.constant 0 : i32
      %dma_start3A_528 = tpu.memref_slice %arg4[%arg0, %mul3A_527, %dma_start3A] : memref<2x1024x16xf32, #tpu.memory_space<hbm>> -> memref<1x64x16xf32, #tpu.memory_space<hbm>>
      %dma_start3A_529 = tpu.memref_squeeze %dma_start3A_528 : memref<1x64x16xf32, #tpu.memory_space<hbm>> -> memref<64x16xf32, #tpu.memory_space<hbm>>
      %dma_start3A_530 = arith.constant 0 : i32
      %dma_start3A_531 = tpu.memref_slice %arg8[%mul3A_525, %dma_start3A_530] : memref<1024x16xf32, #tpu.memory_space<vmem_shared>> -> memref<64x16xf32, #tpu.memory_space<vmem_shared>>
      tpu.enqueue_dma source(%dma_start3A_531 : memref<64x16xf32, #tpu.memory_space<vmem_shared>>) target(%dma_start3A_529 : memref<64x16xf32, #tpu.memory_space<hbm>>) target_semaphore(%run_scoped3A : memref<!tpu.dma_semaphore, #tpu.memory_space<semaphore_mem>>)
      %dma_wait3A = arith.constant 0 : i32
      %dma_wait3A_532 = tpu.memref_slice %arg4[%arg0, %mul3A_527, %dma_wait3A] : memref<2x1024x16xf32, #tpu.memory_space<hbm>> -> memref<1x64x16xf32, #tpu.memory_space<hbm>>
      %dma_wait3A_533 = tpu.memref_squeeze %dma_wait3A_532 : memref<1x64x16xf32, #tpu.memory_space<hbm>> -> memref<64x16xf32, #tpu.memory_space<hbm>>
      %dma_wait3A_534 = arith.constant 0 : i32
      %dma_wait3A_535 = tpu.memref_slice %arg8[%mul3A_525, %dma_wait3A_534] : memref<1024x16xf32, #tpu.memory_space<vmem_shared>> -> memref<64x16xf32, #tpu.memory_space<vmem_shared>>
      tpu.wait_dma2 semaphore(%run_scoped3A : memref<!tpu.dma_semaphore, #tpu.memory_space<semaphore_mem>>) src(%dma_wait3A_535 : memref<64x16xf32, #tpu.memory_space<vmem_shared>>) dst(%dma_wait3A_533 : memref<64x16xf32, #tpu.memory_space<hbm>>)
      tpu.yield
    }) : () -> ()
    return
  }
}

module attributes {stable_mosaic.version = 14 : i64} {
  func.func @_proj_body(%arg0: i32, %arg1: memref<6400x128xf32, #tpu.memory_space<vmem>>, %arg2: memref<128x16xf32, #tpu.memory_space<vmem>>, %arg3: memref<16x1xf32, #tpu.memory_space<vmem>>, %arg4: memref<128x16xf32, #tpu.memory_space<vmem>>, %arg5: memref<1x16xf32, #tpu.memory_space<vmem>>, %arg6: memref<16x6400xf32, #tpu.memory_space<vmem>>, %arg7: memref<6400x16xf32, #tpu.memory_space<vmem>>) attributes {dimension_semantics = [#tpu.dimension_semantics<arbitrary>], iteration_bounds = array<i64: 50>, scalar_prefetch = 0 : i64, scratch_operands = 0 : i64, tpu.core_type = #tpu.core_type<tc>, window_params = [{transform_indices = @transform_0, window_bounds = array<i64: 6400, 128>}, {pipeline_mode = #tpu.pipeline_mode<synchronous>, transform_indices = @transform_1, window_bounds = array<i64: 128, 16>}, {pipeline_mode = #tpu.pipeline_mode<synchronous>, transform_indices = @transform_2, window_bounds = array<i64: 16, 1>}, {pipeline_mode = #tpu.pipeline_mode<synchronous>, transform_indices = @transform_3, window_bounds = array<i64: 128, 16>}, {pipeline_mode = #tpu.pipeline_mode<synchronous>, transform_indices = @transform_4, window_bounds = array<i64: 1, 16>}, {transform_indices = @transform_5, window_bounds = array<i64: 16, 6400>}, {transform_indices = @transform_6, window_bounds = array<i64: 6400, 16>}]} {
    %get3A = arith.constant 0 : index
    %get3A_0 = arith.constant 0 : index
    %get3A_1 = vector.load %arg1[%get3A, %get3A_0] : memref<6400x128xf32, #tpu.memory_space<vmem>>, vector<6400x128xf32>
    %get3A_2 = arith.constant 0 : index
    %get3A_3 = arith.constant 0 : index
    %get3A_4 = vector.load %arg2[%get3A_2, %get3A_3] : memref<128x16xf32, #tpu.memory_space<vmem>>, vector<128x16xf32>
    %dot_general3A = arith.constant dense<0.000000e+00> : vector<16x6400xf32>
    %dot_general3A_5 = tpu.matmul %get3A_4, %get3A_1, %dot_general3A {dimension_numbers = #tpu.dot_dimension_numbers<[0], [1], [1], [0], [0, 1, 1, 0], [], []>, transpose_lhs_hint = false} : vector<128x16xf32>, vector<6400x128xf32>, vector<16x6400xf32> -> vector<16x6400xf32>
    %get3A_6 = arith.constant 0 : index
    %get3A_7 = arith.constant 0 : index
    %get3A_8 = vector.load %arg3[%get3A_6, %get3A_7] : memref<16x1xf32, #tpu.memory_space<vmem>>, vector<16x1xf32>
    %add3A = vector.broadcast %get3A_8 : vector<16x1xf32> to vector<16x6400xf32>
    %add3A_9 = arith.addf %dot_general3A_5, %add3A : vector<16x6400xf32>
    %swap3A = arith.constant 0 : index
    %swap3A_10 = arith.constant 0 : index
    %swap3A_11 = vector.load %arg6[%swap3A, %swap3A_10] : memref<16x6400xf32, #tpu.memory_space<vmem>>, vector<16x6400xf32>
    tpu.vector_store %arg6[%swap3A, %swap3A_10], %add3A_9 {strides = array<i32>} : memref<16x6400xf32, #tpu.memory_space<vmem>>, vector<16x6400xf32>,
    %get3A_12 = arith.constant 0 : index
    %get3A_13 = arith.constant 0 : index
    %get3A_14 = vector.load %arg4[%get3A_12, %get3A_13] : memref<128x16xf32, #tpu.memory_space<vmem>>, vector<128x16xf32>
    %dot_general3A_15 = arith.constant dense<0.000000e+00> : vector<6400x16xf32>
    %dot_general3A_16 = tpu.matmul %get3A_1, %get3A_14, %dot_general3A_15 {dimension_numbers = #tpu.dot_dimension_numbers<[1], [0], [0], [1], [0, 0, 1, 1], [], []>, transpose_lhs_hint = false} : vector<6400x128xf32>, vector<128x16xf32>, vector<6400x16xf32> -> vector<6400x16xf32>
    %get3A_17 = arith.constant 0 : index
    %get3A_18 = arith.constant 0 : index
    %get3A_19 = vector.load %arg5[%get3A_17, %get3A_18] : memref<1x16xf32, #tpu.memory_space<vmem>>, vector<1x16xf32>
    %add3A_20 = vector.broadcast %get3A_19 : vector<1x16xf32> to vector<6400x16xf32>
    %add3A_21 = arith.addf %dot_general3A_16, %add3A_20 : vector<6400x16xf32>
    %swap3A_22 = arith.constant 0 : index
    %swap3A_23 = arith.constant 0 : index
    %swap3A_24 = vector.load %arg7[%swap3A_22, %swap3A_23] : memref<6400x16xf32, #tpu.memory_space<vmem>>, vector<6400x16xf32>
    tpu.vector_store %arg7[%swap3A_22, %swap3A_23], %add3A_21 {strides = array<i32>} : memref<6400x16xf32, #tpu.memory_space<vmem>>, vector<6400x16xf32>,
    return
  }
  func.func @transform_0(%arg0: i32) -> (i32, i32) {
    %c0_i32 = arith.constant 0 : i32
    %c0_i32_0 = arith.constant 0 : i32
    return %arg0, %c0_i32 : i32, i32
  }
  func.func @transform_1(%arg0: i32) -> (i32, i32) {
    %c0_i32 = arith.constant 0 : i32
    %c0_i32_0 = arith.constant 0 : i32
    %c0_i32_1 = arith.constant 0 : i32
    return %c0_i32, %c0_i32_0 : i32, i32
  }
  func.func @transform_2(%arg0: i32) -> (i32, i32) {
    %c0_i32 = arith.constant 0 : i32
    %c0_i32_0 = arith.constant 0 : i32
    %c0_i32_1 = arith.constant 0 : i32
    return %c0_i32, %c0_i32_0 : i32, i32
  }
  func.func @transform_3(%arg0: i32) -> (i32, i32) {
    %c0_i32 = arith.constant 0 : i32
    %c0_i32_0 = arith.constant 0 : i32
    %c0_i32_1 = arith.constant 0 : i32
    return %c0_i32, %c0_i32_0 : i32, i32
  }
  func.func @transform_4(%arg0: i32) -> (i32, i32) {
    %c0_i32 = arith.constant 0 : i32
    %c0_i32_0 = arith.constant 0 : i32
    %c0_i32_1 = arith.constant 0 : i32
    return %c0_i32, %c0_i32_0 : i32, i32
  }
  func.func @transform_5(%arg0: i32) -> (i32, i32) {
    %c0_i32 = arith.constant 0 : i32
    %c0_i32_0 = arith.constant 0 : i32
    return %c0_i32, %arg0 : i32, i32
  }
  func.func @transform_6(%arg0: i32) -> (i32, i32) {
    %c0_i32 = arith.constant 0 : i32
    %c0_i32_0 = arith.constant 0 : i32
    return %arg0, %c0_i32 : i32, i32
  }
}

module attributes {stable_mosaic.version = 14 : i64} {
  func.func @_combine_body(%arg0: memref<2x1024x16xf32, #tpu.memory_space<vmem>>, %arg1: memref<1024x16xf32, #tpu.memory_space<vmem>>) attributes {dimension_semantics = [], scalar_prefetch = 0 : i64, scratch_operands = 0 : i64, tpu.core_type = #tpu.core_type<tc>} {
    %get3A = arith.constant 0 : index
    %get3A_0 = arith.constant 0 : index
    %get3A_1 = arith.constant 0 : index
    %get3A_2 = vector.load %arg0[%get3A, %get3A_0, %get3A_1] : memref<2x1024x16xf32, #tpu.memory_space<vmem>>, vector<1x1024x16xf32>
    %get3A_3 = vector.shape_cast %get3A_2 : vector<1x1024x16xf32> to vector<1024x16xf32>
    %get3A_4 = arith.constant 1 : index
    %get3A_5 = arith.constant 0 : index
    %get3A_6 = arith.constant 0 : index
    %get3A_7 = vector.load %arg0[%get3A_4, %get3A_5, %get3A_6] : memref<2x1024x16xf32, #tpu.memory_space<vmem>>, vector<1x1024x16xf32>
    %get3A_8 = vector.shape_cast %get3A_7 : vector<1x1024x16xf32> to vector<1024x16xf32>
    %add3A = arith.addf %get3A_3, %get3A_8 : vector<1024x16xf32>
    %swap3A = arith.constant 0 : index
    %swap3A_9 = arith.constant 0 : index
    %swap3A_10 = vector.load %arg1[%swap3A, %swap3A_9] : memref<1024x16xf32, #tpu.memory_space<vmem>>, vector<1024x16xf32>
    tpu.vector_store %arg1[%swap3A, %swap3A_9], %add3A {strides = array<i32>} : memref<1024x16xf32, #tpu.memory_space<vmem>>, vector<1024x16xf32>,
    return
  }
}

</mosaic_0001>

<sc_bundles>
// kernel: kernel.5.cloned.1.call-start
scs
__scs_entry_jumppad:
0x0: {  	(pc) =	sbr.rel $0x88, $3  }
0x1: {  	(tag) =	ssettag $0x0;
	lr =	simm.s32 $0x1  }
0x2: {  	[smem:$0x3F9B] =	sst lr;
	_ =	strace $0xD0000000  }
0x3: {  	_ = 	snop  }
0x4: {  	_ = 	snop  }
0x5: {  	_ = 	snop  }
0x6: {  	_ = 	snop  }
0x7: {  	_ = 	snop  }
__scs_overlays_trampoline_lowered:
0x8: {  	[smem:$0x3FAA] =	sst s0  }
0x9: {  	[smem:$0x3FAB] =	sst s1  }
0xa: {  	[smem:$0x3FAC] =	sst s2  }
0xb: {  	[smem:$0x3FAD] =	sst s3  }
0xc: {  	[smem:$0x3FAE] =	sst s4  }
0xd: {  	[smem:$0x3FAF] =	sst s5  }
0xe: {  	[smem:$0x3FB0] =	sst s6  }
0xf: {  	[smem:$0x3FB1] =	sst s7  }
0x10: {  	[smem:$0x3FB2] =	sst s8  }
0x11: {  	[smem:$0x3FB3] =	sst s9;
	s0 =	simm.s32 @!p0 $0x0  }
0x12: {  	s1 =	sld [smem:$0x3F99];
	s0 =	simm.s32 @p0 $0x1  }
0x13: {  	[smem:$0x3FB4] =	sst s0;
	s0 =	simm.s32 @!p1 $0x0  }
0x14: {  	s2 =	sld [smem:$0x3F98];
	s0 =	simm.s32 @p1 $0x1  }
0x15: {  	[smem:$0x3FB5] =	sst s0;
	s0 =	simm.s32 @!p2 $0x0  }
0x16: {  	s3 =	sld [smem:$0x3FDB];
	s0 =	simm.s32 @p2 $0x1  }
0x17: {  	s4 =	simm.s32 $0x1BF5;
	[smem:$0x3FB7] =	sst s0  }
0x18: {  	s0 =	sld [smem:$0x3F9A];
	_ =	swait.ge [sflag:s4], $0x0  }
0x19: {  	s7 =	sld [smem:$0x3F9B]  }
0x1a: {  	s8 =	sadd.s32 $0xFFFFE003, lr  }
0x1b: {  	s9 =	sadd.s32 $0xFFFFFEF7, lr;
	s5 =	simm.s32 $0xFFFFFFFF;
	p2 =	slt.u32 s8, $0xFFFFF086  }
0x1c: {  	p1 =	slt.u32 s9, $0xF7A;
	s5 =	simm.s32 @!p2 $0x0  }
0x1d: {  	s5 =	simm.s32 @p1 $0x1;
	p0 =	seq.s32 s7, s2  }
0x1e: {  	s7 =	smul.u32 @!p0 $0xF7A, s2;
	p2 =	seq.s32 @!p0 s5, $0x0  }
0x1f: {  	s9 =	smul.u32 $0xF7A, s1;
	s8 =	simm.s32 @!p0 $0x1BF5;
	p2 =	por !p2, p0  }
0x20: {  	[sflag:s8] =	ssyncset.s32 @!p0 $0xFFFFF086;
	s6 =	sadd.s32 @!p0 s3, s7;
	s7 =	simm.s32 @!p0 $0x108  }
0x21: {  	s3 =	sadd.s32 s3, s9;
	s6 =	sadd.s32 @!p0 $0x88, s6;
	s7 =	simm.s32 @p2 $0x1082  }
0x22: {  	[simem:s7], [sflag:s8] =	dma.local @!p0 [hbm:s6], $0xF7A  }
0x23: {  	s9 =	sor.u32 $0xD0000000, s2;
	s6 =	simm.s32 $0x108;
	_ =	swait.ge @!p0 [sflag:s8], $0x0  }
0x24: {  	s3 =	sadd.s32 $0x88, s3;
	s6 =	simm.s32 @!p1 $0x1082;
	[sflag:s4] =	ssyncset.s32 $0xFFFFF086  }
0x25: {  	[simem:s6], [sflag:s4] =	dma.local [hbm:s3], $0xF7A  }
0x26: {  	[smem:$0x3F9B] =	sst s1;
	(tag) =	ssettag s2;
	_ =	strace s9  }
0x27: {  	s1 =	sld [smem:$0x3FAB]  }
0x28: {  	s2 =	sld [smem:$0x3FAC]  }
0x29: {  	s4 =	sld [smem:$0x3FAE]  }
0x2a: {  	p0 =	seq.s32 s5, $0x0;
	s5 =	sld [smem:$0x3FAF]  }
0x2b: {  	s6 =	sld [smem:$0x3FB0]  }
0x2c: {  	s7 =	sld [smem:$0x3FB1]  }
0x2d: {  	s3 =	simm.s32 $0x108;
	s8 =	sld [smem:$0x3FB2]  }
0x2e: {  	s3 =	simm.s32 @!p0 $0x1082;
	s9 =	sld [smem:$0x3FB3]  }
0x2f: {  	lr =	sadd.s32 s0, s3;
	s0 =	sld [smem:$0x3FAA]  }
0x30: {  	s3 =	sld [smem:$0x3FAD]  }
0x31: {  	[smem:$0x3FB6] =	sst s10  }
0x32: {  	s10 =	sld [smem:$0x3FB4];
	_ =	sdelay $0x3  }
0x33: {  	p0 =	seq.s32 s10, $0x1;
	s10 =	sld [smem:$0x3FB6];
	_ =	sdelay $0x3  }
0x34: {  	[smem:$0x3FB6] =	sst s10  }
0x35: {  	s10 =	sld [smem:$0x3FB5];
	_ =	sdelay $0x3  }
0x36: {  	p1 =	seq.s32 s10, $0x1;
	s10 =	sld [smem:$0x3FB6];
	_ =	sdelay $0x3  }
0x37: {  	[smem:$0x3FB6] =	sst s10  }
0x38: {  	s10 =	sld [smem:$0x3FB7]  }
0x39: {  	_ = 	snop;
	(pc) =	sbr.ind lr, $3  }
0x3a: {  	_ = 	snop  }
0x3b: {  	_ = 	snop  }
0x3c: {  	p2 =	seq.s32 s10, $0x1;
	s10 =	sld [smem:$0x3FB6]  }
0x3d: {  	_ =	shalt  }
0x3e: {  	_ =	shalt  }
0x3f: {  	_ =	shalt  }
0x40: {  	_ =	shalt  }
0x41: {  	_ =	shalt  }
0x42: {  	_ =	shalt  }
0x43: {  	_ =	shalt  }
0x44: {  	_ =	shalt  }
0x45: {  	_ =	shalt  }
0x46: {  	_ =	shalt  }
0x47: {  	_ =	shalt  }
0x48: {  	_ =	shalt  }
0x49: {  	_ =	shalt  }
0x4a: {  	_ =	shalt  }
0x4b: {  	_ =	shalt  }
0x4c: {  	_ =	shalt  }
0x4d: {  	_ =	shalt  }
0x4e: {  	_ =	shalt  }
0x4f: {  	_ =	shalt  }
0x50: {  	_ =	shalt  }
0x51: {  	_ =	shalt  }
0x52: {  	_ =	shalt  }
0x53: {  	_ =	shalt  }
0x54: {  	_ =	shalt  }
0x55: {  	_ =	shalt  }
0x56: {  	_ =	shalt  }
0x57: {  	_ =	shalt  }
0x58: {  	_ =	shalt  }
0x59: {  	_ =	shalt  }
0x5a: {  	_ =	shalt  }
0x5b: {  	_ =	shalt  }
0x5c: {  	_ =	shalt  }
0x5d: {  	_ =	shalt  }
0x5e: {  	_ =	shalt  }
0x5f: {  	_ =	shalt  }
0x60: {  	_ =	shalt  }
0x61: {  	_ =	shalt  }
0x62: {  	_ =	shalt  }
0x63: {  	_ =	shalt  }
0x64: {  	_ =	shalt  }
0x65: {  	_ =	shalt  }
0x66: {  	_ =	shalt  }
0x67: {  	_ =	shalt  }
0x68: {  	_ =	shalt  }
0x69: {  	_ =	shalt  }
0x6a: {  	_ =	shalt  }
0x6b: {  	_ =	shalt  }
0x6c: {  	_ =	shalt  }
0x6d: {  	_ =	shalt  }
0x6e: {  	_ =	shalt  }
0x6f: {  	_ =	shalt  }
0x70: {  	_ =	shalt  }
0x71: {  	_ =	shalt  }
0x72: {  	_ =	shalt  }
0x73: {  	_ =	shalt  }
0x74: {  	_ =	shalt  }
0x75: {  	_ =	shalt  }
0x76: {  	_ =	shalt  }
0x77: {  	_ =	shalt  }
0x78: {  	_ =	shalt  }
0x79: {  	_ =	shalt  }
0x7a: {  	_ =	shalt  }
0x7b: {  	_ =	shalt  }
0x7c: {  	_ =	shalt  }
0x7d: {  	_ =	shalt  }
0x7e: {  	_ =	shalt  }
0x7f: {  	_ =	shalt  }
0x80: {  	_ =	shalt  }
0x81: {  	_ =	shalt  }
0x82: {  	_ =	shalt  }
0x83: {  	_ =	shalt  }
0x84: {  	_ =	shalt  }
0x85: {  	_ =	shalt  }
0x86: {  	_ =	shalt  }
0x87: {  	_ =	shalt  }
.Lfunc_end0:
.L_simem_size_0:
called_computation_lowered:
.L_overlay_start_0:
0x88: {  	s2 =	sld [smem:$0x3FD9]  }
0x89: {  	s3 =	sld [smem:$0x3FFE];
	_ =	sdelay $0x1  }
0x8a: {  	s1 =	srdreg.scid  }
0x8b: {  	s0 =	sand.u32 $0x1, s1  }
0x8c: {  	s17 =	sshll.u32 s0, $0xA;
	s2 =	sadd.s32 s3, s2  }
0x8d: {  	s2 =	sadd.s32 s2, s17  }
0x8e: {  	[smem:$0x3FC2] =	sst s2  }
0x8f: {  	_ = 	snop  }
0x90: {  	s2 =	sld [smem:$0x3FC4];
	(tm) =	ssettm $0x1  }
0x91: {  	s18 =	sld [smem:$0x3FFB];
	_ =	sdelay $0x3  }
0x92: {  	_ =	strace s18  }
0x93: {  	s3 =	sld [smem:$0x3FFC];
	_ =	sdelay $0x3  }
0x94: {  	_ =	strace s3  }
0x95: {  	s3 =	sld [smem:$0x3FFD];
	_ =	sdelay $0x3  }
0x96: {  	_ =	strace s3  }
0x97: {  	_ =	strace $0x8FFFFFFF  }
0x98: {  	s19 =	sld [smem:$0x3FDB];
	_ =	sdelay $0x1  }
0x99: {  	s4 =	simm.s32 $_scs_section_size  }
0x9a: {  	s5 =	simm.s32 $_size__tile_overlayer_lowered;
	s6 =	simm.s32 $_tile_overlayer_lowered  }
0x9b: {  	s22 =	simm.s32 $0x1BFF;
	s21 =	sshll.u32 s6, $0x1;
	s3 =	sadd.s32 s4, s19  }
0x9c: {  	s7 =	simm.s32 $0x0;
	s20 =	sshll.u32 s5, $0x1;
	s5 =	sadd.s32 s21, s3  }
0x9d: {  	[timem:s7], [sflag:s22] =	dma.local [hbm:s5], s20  }
0x9e: {  	_ =	swait.ge [sflag:s22], s20  }
0x9f: {  	s4 =	ssub.s32 $0x0, s20;
	[sflag:s22] =	ssyncset.done $0x0  }
0xa0: {  	[sflag:s22] =	ssyncadd.s32 s4;
	_ =	sdelay $0x1  }
0xa1: {  	s23 =	simm.s32 $0x1B8B  }
0xa2: {  	_ =	swait.ge [sflag:s23], $0x1  }
0xa3: {  	[sflag:s23] =	ssyncset.done $0x0  }
0xa4: {  	s25 =	simm.s32 $0x1B8E;
	s24 =	sld [smem:$0x3FFE];
	[sflag:s23] =	ssyncadd.s32 $0xFFFFFFFF  }
0xa5: {  	s26 =	simm.s32 $execute0_lowered;
	[smem:$0x3FD2] =	sst s25  }
0xa6: {  	s5 =	sshll.u32 s26, $0x1;
	_ =	strace $0x80000046;
	[dreg:$0x1] =	wrdreg $0xFFFFFFFF  }
0xa7: {  	s28 =	simm.s32 $_size_execute0_lowered;
	s3 =	sadd.s32 s3, s5;
	[dreg:$0x0] =	wrdreg $0x0  }
0xa8: {  	s5 =	sshll.u32 s28, $0x1;
	[dreg:$0x2] =	wrdreg s3  }
0xa9: {  	[dreg:$0x3] =	wrdreg s5  }
0xaa: {  	[dreg:$0x4] =	wrdreg $0xC0  }
0xab: {  	_ =	task [dreg:s7], $0x5FFFF  }
0xac: {  	[dreg:$0x1] =	wrdreg $0xFFFFFFFF  }
0xad: {  	[dreg:$0x0] =	wrdreg $0x60  }
0xae: {  	[dreg:$0x2] =	wrdreg s24  }
0xaf: {  	[dreg:$0x3] =	wrdreg s2  }
0xb0: {  	[dreg:$0x4] =	wrdreg $0x150080  }
0xb1: {  	[dreg:$0x5] =	wrdreg $0x9  }
0xb2: {  	_ =	task.clear_ibuf [dreg:s7], $0x6FFFF;
	_ =	strace $0x90000046  }
0xb3: {  	s29 =	simm.s32 $0x9;
	_ =	strace $0x80000048  }
0xb4: {  	_ =	swait.ge [sflag:s29], $0x1  }
0xb5: {  	[sflag:s29] =	ssyncadd.s32 $0xFFFFFFFF  }
0xb6: {  	_ =	strace $0x90000048  }
0xb7: {  	_ =	sfence  }
0xb8: {  	s30 =	sld [smem:$0x0];
	_ =	sdelay $0x2  }
0xb9: {  	s31 =	sshll.u32 s1, $0xD;
	s1 =	sshrl.u32 s1, $0x2  }
0xba: {  	s3 =	sand.u32 $0x4000, s31;
	s1 =	sadd.s32 s1, s30  }
0xbb: {  	s0 =	sor.u32 s3, s0;
	s1 =	sshll.u32 s1, $0x11  }
0xbc: {  	s0 =	sor.u32 s1, s0  }
0xbd: {  	s0 =	sadd.s32 $0x8F2B, s0  }
0xbe: {  	[sflag:s0] =	ssyncadd.remote.s32 $0x1  }
0xbf: {  	_ =	sfence.sel $0xFFFF  }
0xc0: {  	[dreg:$0x0] =	wrdreg $0xFFFFFFFF;
	(pc) =	sbr.abs _section_cstart, $3  }
0xc1: {  	[dreg:$0x1] =	wrdreg $0xFFFFFFFF  }
0xc2: {  	_ =	task.clear_ibuf [dreg:s7], $0x2FFFF;
	_ =	strace $0x9FFFFFFF  }
0xc3: {  	(tm) =	ssettm $0x7FFFFFFF  }
tec
execute0_lowered:
.L_overlay_start_1:
0x0: {  	(tag) =	ssettag $0x1  }
0x1: {  	s13 =	rddreg [dreg:$0x0]  }
0x2: {  	s12 =	rddreg [dreg:$0x1]  }
0x3: {  	s1 =	rddreg [dreg:$0x2];
	s2 =	simm.s32 $0x0  }
0x4: {  	v0 =	vimm.f32 $0.0e+00;
	[smem:$0x7FF] =	sst s2  }
0x5: {  	s0 =	rddreg [dreg:$0x3];
	_ =	strace $0x80000047;
	[tilespmem:$0x14C28] =	vst v0  }
0x6: {  	[tilespmem:$0x14C38] =	vst v0  }
0x7: {  	[tilespmem:$0x14C48] =	vst v0  }
0x8: {  	[tilespmem:$0x14C58] =	vst v0  }
0x9: {  	[tilespmem:$0x14C68] =	vst v0  }
0xa: {  	[tilespmem:$0x14C78] =	vst v0  }
0xb: {  	[tilespmem:$0x14C08] =	vst v0  }
0xc: {  	[tilespmem:$0x14FF8] =	vst v0  }
0xd: {  	[tilespmem:$0x14FE8] =	vst v0  }
0xe: {  	[tilespmem:$0x14FD8] =	vst v0  }
0xf: {  	[tilespmem:$0x14FC8] =	vst v0  }
0x10: {  	[tilespmem:$0x14FB8] =	vst v0  }
0x11: {  	[tilespmem:$0x14FA8] =	vst v0  }
0x12: {  	[tilespmem:$0x14F98] =	vst v0  }
0x13: {  	[tilespmem:$0x14F88] =	vst v0  }
0x14: {  	[tilespmem:$0x14F78] =	vst v0  }
0x15: {  	[tilespmem:$0x14F68] =	vst v0  }
0x16: {  	[tilespmem:$0x14F58] =	vst v0  }
0x17: {  	[tilespmem:$0x14F48] =	vst v0  }
0x18: {  	[tilespmem:$0x14F38] =	vst v0  }
0x19: {  	[tilespmem:$0x14F28] =	vst v0  }
0x1a: {  	[tilespmem:$0x14F18] =	vst v0  }
0x1b: {  	[tilespmem:$0x14F08] =	vst v0  }
0x1c: {  	[tilespmem:$0x14EE8] =	vst v0  }
0x1d: {  	[tilespmem:$0x14EF8] =	vst v0  }
0x1e: {  	[tilespmem:$0x14ED8] =	vst v0  }
0x1f: {  	[tilespmem:$0x14EC8] =	vst v0  }
0x20: {  	[tilespmem:$0x14EB8] =	vst v0  }
0x21: {  	[tilespmem:$0x14EA8] =	vst v0  }
0x22: {  	[tilespmem:$0x14E98] =	vst v0  }
0x23: {  	[tilespmem:$0x14E88] =	vst v0  }
0x24: {  	[tilespmem:$0x14E78] =	vst v0  }
0x25: {  	[tilespmem:$0x14E68] =	vst v0  }
0x26: {  	[tilespmem:$0x14E58] =	vst v0  }
0x27: {  	[tilespmem:$0x14E48] =	vst v0  }
0x28: {  	[tilespmem:$0x14E38] =	vst v0  }
0x29: {  	[tilespmem:$0x14E28] =	vst v0  }
0x2a: {  	[tilespmem:$0x14E18] =	vst v0  }
0x2b: {  	[tilespmem:$0x14E08] =	vst v0  }
0x2c: {  	[tilespmem:$0x14DF8] =	vst v0  }
0x2d: {  	[tilespmem:$0x14DE8] =	vst v0  }
0x2e: {  	[tilespmem:$0x14DD8] =	vst v0  }
0x2f: {  	[tilespmem:$0x14DC8] =	vst v0  }
0x30: {  	[tilespmem:$0x14DB8] =	vst v0  }
0x31: {  	[tilespmem:$0x14DA8] =	vst v0  }
0x32: {  	[tilespmem:$0x14D98] =	vst v0  }
0x33: {  	[tilespmem:$0x14D88] =	vst v0  }
0x34: {  	[tilespmem:$0x14D78] =	vst v0  }
0x35: {  	[tilespmem:$0x14D68] =	vst v0  }
0x36: {  	[tilespmem:$0x14D58] =	vst v0  }
0x37: {  	[tilespmem:$0x14D48] =	vst v0  }
0x38: {  	[tilespmem:$0x14D38] =	vst v0  }
0x39: {  	[tilespmem:$0x14D28] =	vst v0  }
0x3a: {  	[tilespmem:$0x14D18] =	vst v0  }
0x3b: {  	[tilespmem:$0x14D08] =	vst v0  }
0x3c: {  	[tilespmem:$0x14CF8] =	vst v0  }
0x3d: {  	[tilespmem:$0x14CE8] =	vst v0  }
0x3e: {  	[tilespmem:$0x14CD8] =	vst v0  }
0x3f: {  	[tilespmem:$0x14CC8] =	vst v0  }
0x40: {  	[tilespmem:$0x14CB8] =	vst v0  }
0x41: {  	[tilespmem:$0x14CA8] =	vst v0  }
0x42: {  	s4 =	srdreg.scid;
	s3 =	stileid.u32;
	[tilespmem:$0x14C98] =	vst v0  }
0x43: {  	s6 =	simm.s32 $0x14C08;
	s5 =	simm.s32 $0x1;
	s15 =	sshll.u32 s3, $0xA;
	[tilespmem:$0x14C88] =	vst v0  }
0x44: {  	s14 =	sand.u32 $0x1, s4;
	s7 =	sshll.u32 s3, $0x1;
	s4 =	sadd.s32 s15, s1;
	[tilespmem:$0x14C18] =	vst v0  }
0x45: {  	[spmem:s4] =	stream.linear.scatter [tilespmem:s6], [sflag:$0x1], $0x400, $0x38;
	[tilespmem:$0x15408] =	vst v63  }
0x46: {  	s7 =	sor.u32 s14, s7;
	_ =	swait.ge [sflag:s5], $0x400  }
0x47: {  	s8 =	smul.u32 $0x4E20, s7;
	[sflag:s5] =	ssyncset.done $0x0  }
0x48: {  	s11 =	sadd.s32 $0x4E2800, s13;
	[sflag:s5] =	ssyncadd.s32 $0xFFFFFC00  }
0x49: {  	s16 =	smul.u32 $0x2710, s7;
	s7 =	sadd.s32 s11, s8;
	[bflag:$0x0] =	sbarrier.arrive $0xFFFF  }
0x4a: {  	[tilespmem:s2], [sflag:$0x1] =	stream.linear.gather [hbm4b:s7+s2], $0x13880, $0x38;
	[tilespmem:$0x15408] =	vst v63  }
0x4b: {  	_ =	swait.ge [sflag:s5], $0x13880  }
0x4c: {  	s26 =	sshrl.u32 s16, $0x3;
	[sflag:s5] =	ssyncset.done $0x0  }
0x4d: {  	s9 =	simm.s32 $0x13880;
	s8 =	sadd.s32 s12, s26;
	[sflag:s5] =	ssyncadd.s32 $0xFFFEC780  }
0x4e: {  	[tilespmem:s9], [sflag:$0x1] =	stream.linear.gather [hbm4b:s8+s2], $0x1388, $0x38;
	[tilespmem:$0x15408] =	vst v63  }
0x4f: {  	_ =	swait.ge [sflag:s5], $0x1388  }
0x50: {  	[sflag:s5] =	ssyncset.done $0x0  }
0x51: {  	s10 =	simm.s32 $0x1388;
	[sflag:s5] =	ssyncadd.s32 $0xFFFFEC78  }
0x52: {  	[spmem:s1] =	stream.indirect.scatter.add.f32 [tilespmem:s2], [sflag:$0x1], $0x10, s9, s10, $0xb8;
	[tilespmem:$0x15408] =	vst v63  }
0x53: {  	s16 =	sadd.s32 $0x1388, s16;
	_ =	swait.ge [sflag:s5], $0x13880  }
0x54: {  	s17 =	sshll.u32 s16, $0x1;
	[sflag:s5] =	ssyncset.done $0x0  }
0x55: {  	s11 =	sadd.s32 s11, s17;
	[sflag:s5] =	ssyncadd.s32 $0xFFFEC780  }
0x56: {  	[tilespmem:s2], [sflag:$0x1] =	stream.linear.gather [hbm4b:s11+s2], $0x13880, $0x38;
	[tilespmem:$0x15408] =	vst v63  }
0x57: {  	_ =	swait.ge [sflag:s5], $0x13880  }
0x58: {  	s16 =	sshrl.u32 s16, $0x3;
	[sflag:s5] =	ssyncset.done $0x0  }
0x59: {  	s12 =	sadd.s32 s12, s16;
	[sflag:s5] =	ssyncadd.s32 $0xFFFEC780  }
0x5a: {  	[tilespmem:s9], [sflag:$0x1] =	stream.linear.gather [hbm4b:s12+s2], $0x1388, $0x38;
	[tilespmem:$0x15408] =	vst v63  }
0x5b: {  	s28 =	sshll.u32 s14, $0xE;
	s14 =	ssub.s32 $0x2, s14;
	_ =	swait.ge [sflag:s5], $0x1388  }
0x5c: {  	s31 =	sshll.u32 s3, $0x6;
	s29 =	sshrl.u32 s14, $0x1;
	[sflag:s5] =	ssyncset.done $0x0  }
0x5d: {  	s15 =	sor.u32 s15, s28;
	s14 =	ssub.s32 s14, s29;
	[sflag:s5] =	ssyncadd.s32 $0xFFFFEC78  }
0x5e: {  	[spmem:s1] =	stream.indirect.scatter.add.f32 [tilespmem:s2], [sflag:$0x1], $0x10, s9, s10, $0xb8;
	[tilespmem:$0x15408] =	vst v63  }
0x5f: {  	s15 =	sshrl.u32 s15, $0x3;
	s30 =	smax.u32 s14, $0x1;
	_ =	swait.ge [sflag:s5], $0x13880  }
0x60: {  	s13 =	sadd.s32 s15, s13;
	p0 =	sne.s32 s30, $0x1;
	[sflag:s5] =	ssyncset.done $0x0  }
.Ltmp0:
0x61: {  	s14 =	sor.u32 $0x1C01, s31;
	[sflag:s5] =	ssyncadd.s32 $0xFFFEC780;
	(pc) =	sbr.rel @!p0 .LBB2_2-.Ltmp0, $4  }
0x62: {  	s15 =	sshrl.u32 s4, $0x3;
	s13 =	sadd.s32 $0x800, s13;
	[bflag:$0x0] =	sbarrier.arrive $0xFFFF  }
0x63: {  	[hbm:s13], [sflag:s14] =	dma.local [spmem:s15], $0x80  }
0x64: {  	_ =	swait.ge [sflag:s5], $0x80  }
0x65: {  	s16 =	sadd.s32 $0xFFFFFFFF, s30;
	[sflag:s5] =	ssyncset.done $0x0  }
.LBB2_1:
0x66: {  	p0 =	sne.s32 s16, $0x1;
	s16 =	sadd.s32 $0xFFFFFFFF, s16;
	[sflag:s5] =	ssyncadd.s32 $0xFFFFFF80  }
0x67: {  	[tilespmem:$0x14C28] =	vst v0  }
0x68: {  	[tilespmem:$0x14C38] =	vst v0  }
0x69: {  	[tilespmem:$0x14C48] =	vst v0  }
0x6a: {  	[tilespmem:$0x14C58] =	vst v0  }
0x6b: {  	[tilespmem:$0x14C68] =	vst v0  }
0x6c: {  	[tilespmem:$0x14C78] =	vst v0  }
0x6d: {  	[tilespmem:$0x14C08] =	vst v0  }
0x6e: {  	[tilespmem:$0x14FF8] =	vst v0  }
0x6f: {  	[tilespmem:$0x14FE8] =	vst v0  }
0x70: {  	[tilespmem:$0x14FD8] =	vst v0  }
0x71: {  	[tilespmem:$0x14FC8] =	vst v0  }
0x72: {  	[tilespmem:$0x14FB8] =	vst v0  }
0x73: {  	[tilespmem:$0x14FA8] =	vst v0  }
0x74: {  	[tilespmem:$0x14F98] =	vst v0  }
0x75: {  	[tilespmem:$0x14F88] =	vst v0  }
0x76: {  	[tilespmem:$0x14F78] =	vst v0  }
0x77: {  	[tilespmem:$0x14F68] =	vst v0  }
0x78: {  	[tilespmem:$0x14F58] =	vst v0  }
0x79: {  	[tilespmem:$0x14F48] =	vst v0  }
0x7a: {  	[tilespmem:$0x14F38] =	vst v0  }
0x7b: {  	[tilespmem:$0x14F28] =	vst v0  }
0x7c: {  	[tilespmem:$0x14F18] =	vst v0  }
0x7d: {  	[tilespmem:$0x14F08] =	vst v0  }
0x7e: {  	[tilespmem:$0x14EE8] =	vst v0  }
0x7f: {  	[tilespmem:$0x14EF8] =	vst v0  }
0x80: {  	[tilespmem:$0x14ED8] =	vst v0  }
0x81: {  	[tilespmem:$0x14EC8] =	vst v0  }
0x82: {  	[tilespmem:$0x14EB8] =	vst v0  }
0x83: {  	[tilespmem:$0x14EA8] =	vst v0  }
0x84: {  	[tilespmem:$0x14E98] =	vst v0  }
0x85: {  	[tilespmem:$0x14E88] =	vst v0  }
0x86: {  	[tilespmem:$0x14E78] =	vst v0  }
0x87: {  	[tilespmem:$0x14E68] =	vst v0  }
0x88: {  	[tilespmem:$0x14E58] =	vst v0  }
0x89: {  	[tilespmem:$0x14E48] =	vst v0  }
0x8a: {  	[tilespmem:$0x14E38] =	vst v0  }
0x8b: {  	[tilespmem:$0x14E28] =	vst v0  }
0x8c: {  	[tilespmem:$0x14E18] =	vst v0  }
0x8d: {  	[tilespmem:$0x14E08] =	vst v0  }
0x8e: {  	[tilespmem:$0x14DF8] =	vst v0  }
0x8f: {  	[tilespmem:$0x14DE8] =	vst v0  }
0x90: {  	[tilespmem:$0x14DD8] =	vst v0  }
0x91: {  	[tilespmem:$0x14DC8] =	vst v0  }
0x92: {  	[tilespmem:$0x14DB8] =	vst v0  }
0x93: {  	[tilespmem:$0x14DA8] =	vst v0  }
0x94: {  	[tilespmem:$0x14D98] =	vst v0  }
0x95: {  	[tilespmem:$0x14D88] =	vst v0  }
0x96: {  	[tilespmem:$0x14D78] =	vst v0  }
0x97: {  	[tilespmem:$0x14D68] =	vst v0  }
0x98: {  	[tilespmem:$0x14D58] =	vst v0  }
0x99: {  	[tilespmem:$0x14D48] =	vst v0  }
0x9a: {  	[tilespmem:$0x14D38] =	vst v0  }
0x9b: {  	[tilespmem:$0x14D28] =	vst v0  }
0x9c: {  	[tilespmem:$0x14D18] =	vst v0  }
0x9d: {  	[tilespmem:$0x14D08] =	vst v0  }
0x9e: {  	[tilespmem:$0x14CF8] =	vst v0  }
0x9f: {  	[tilespmem:$0x14CE8] =	vst v0  }
0xa0: {  	[tilespmem:$0x14CD8] =	vst v0  }
0xa1: {  	[tilespmem:$0x14CC8] =	vst v0  }
0xa2: {  	[tilespmem:$0x14CB8] =	vst v0  }
0xa3: {  	[tilespmem:$0x14CA8] =	vst v0  }
0xa4: {  	[tilespmem:$0x14C98] =	vst v0  }
0xa5: {  	[tilespmem:$0x14C88] =	vst v0  }
0xa6: {  	[tilespmem:$0x14C18] =	vst v0  }
0xa7: {  	[spmem:s4] =	stream.linear.scatter [tilespmem:s6], [sflag:$0x1], $0x400, $0x38;
	[tilespmem:$0x15408] =	vst v63  }
0xa8: {  	_ =	swait.ge [sflag:s5], $0x400  }
0xa9: {  	[sflag:s5] =	ssyncset.done $0x0  }
0xaa: {  	[sflag:s5] =	ssyncadd.s32 $0xFFFFFC00  }
0xab: {  	[bflag:$0x0] =	sbarrier.arrive $0xFFFF  }
0xac: {  	[tilespmem:s2], [sflag:$0x1] =	stream.linear.gather [hbm4b:s7+s2], $0x13880, $0x38;
	[tilespmem:$0x15408] =	vst v63  }
0xad: {  	_ =	swait.ge [sflag:s5], $0x13880  }
0xae: {  	[sflag:s5] =	ssyncset.done $0x0  }
0xaf: {  	[sflag:s5] =	ssyncadd.s32 $0xFFFEC780  }
0xb0: {  	[tilespmem:s9], [sflag:$0x1] =	stream.linear.gather [hbm4b:s8+s2], $0x1388, $0x38;
	[tilespmem:$0x15408] =	vst v63  }
0xb1: {  	_ =	swait.ge [sflag:s5], $0x1388  }
0xb2: {  	[sflag:s5] =	ssyncset.done $0x0  }
0xb3: {  	[sflag:s5] =	ssyncadd.s32 $0xFFFFEC78  }
0xb4: {  	[spmem:s1] =	stream.indirect.scatter.add.f32 [tilespmem:s2], [sflag:$0x1], $0x10, s9, s10, $0xb8;
	[tilespmem:$0x15408] =	vst v63  }
0xb5: {  	_ =	swait.ge [sflag:s5], $0x13880  }
0xb6: {  	[sflag:s5] =	ssyncset.done $0x0  }
0xb7: {  	[sflag:s5] =	ssyncadd.s32 $0xFFFEC780  }
0xb8: {  	[tilespmem:s2], [sflag:$0x1] =	stream.linear.gather [hbm4b:s11+s2], $0x13880, $0x38;
	[tilespmem:$0x15408] =	vst v63  }
0xb9: {  	_ =	swait.ge [sflag:s5], $0x13880  }
0xba: {  	[sflag:s5] =	ssyncset.done $0x0  }
0xbb: {  	[sflag:s5] =	ssyncadd.s32 $0xFFFEC780  }
0xbc: {  	[tilespmem:s9], [sflag:$0x1] =	stream.linear.gather [hbm4b:s12+s2], $0x1388, $0x38;
	[tilespmem:$0x15408] =	vst v63  }
0xbd: {  	_ =	swait.ge [sflag:s5], $0x1388  }
0xbe: {  	[sflag:s5] =	ssyncset.done $0x0  }
0xbf: {  	[sflag:s5] =	ssyncadd.s32 $0xFFFFEC78  }
0xc0: {  	[spmem:s1] =	stream.indirect.scatter.add.f32 [tilespmem:s2], [sflag:$0x1], $0x10, s9, s10, $0xb8;
	[tilespmem:$0x15408] =	vst v63  }
0xc1: {  	_ =	swait.ge [sflag:s5], $0x13880  }
0xc2: {  	[sflag:s5] =	ssyncset.done $0x0  }
.Ltmp1:
0xc3: {  	[sflag:s5] =	ssyncadd.s32 $0xFFFEC780;
	(pc) =	sbr.rel @p0 .LBB2_1-.Ltmp1, $4  }
0xc4: {  	[bflag:$0x0] =	sbarrier.arrive $0xFFFF  }
0xc5: {  	[hbm:s13], [sflag:s14] =	dma.local [spmem:s15], $0x80  }
0xc6: {  	_ =	swait.ge [sflag:s5], $0x80  }
0xc7: {  	[sflag:s5] =	ssyncset.done $0x0  }
.LBB2_2:
0xc8: {  	[sflag:s5] =	ssyncadd.s32 $0xFFFFFF80  }
0xc9: {  	_ =	sfence.sel $0x180000  }
0xca: {  	[bflag:$0x0] =	sbarrier.arrive $0xFFFF  }
0xcb: {  	p0 =	sne.s32 s3, $0x0;
	_ =	strace $0x90000047  }
0xcc: {  	s0 =	sadd.s32 @!p0 $0x100000, s0;
	[bflag:$0x2] =	sbarrier.arrive $0xFFFF  }
0xcd: {  	[sflag:s0] =	ssyncadd.tile.s32 @!p0 $0x1;
	_ =	shalt  }
.Lfunc_end2:
_tile_overlayer_lowered:
.L_overlay_start_2:
0xce: {  	(tag) =	ssettag $0x2  }
0xcf: {  	s0 =	rddreg [dreg:$0x0];
	s2 =	stileid.u32  }
0xd0: {  	s1 =	rddreg [dreg:$0x1];
	p0 =	sne.s32 s2, $0x0  }
0xd1: {  	s3 =	rddreg [dreg:$0x2];
	[bflag:$0x3] =	sbarrier.arrive $0xFFFF;
	s2 =	simm.s32 @!p0 $0x1C01  }
0xd2: {  	[timem:s3], [sflag:s2] =	dma.local @!p0 [hbm:s0], s1  }
0xd3: {  	s0 =	simm.s32 @!p0 $0x1  }
0xd4: {  	_ =	swait.ge @!p0 [sflag:s0], s1  }
0xd5: {  	s1 =	ssub.s32 @!p0 $0x0, s1;
	[sflag:s0] =	ssyncset.done @!p0 $0x0  }
0xd6: {  	[sflag:s0] =	ssyncadd.s32 @!p0 s1  }
0xd7: {  	[bflag:$0x3] =	sbarrier.arrive $0xFFFF  }
0xd8: {  	_ =	shalt  }

</sc_bundles>
